<compile_context>
chip_gen: v7x
topology: tpu7x:2x2x1
jax: 0.10.2.dev20260603
libtpu: 0.0.44.dev20260713+nightly
codegen_flags: <defaults>
</compile_context>

<pallas_src>
import functools

import jax
import jax.numpy as jnp
from jax import lax
from jax.experimental import pallas as pl
from jax.experimental.pallas import tpu as pltpu
from jax.experimental.pallas import tpu_sc as plsc

_N = 50000
_E = 3200000
_LANES = 16
_NPAD = 50176
_NTILES = 32
_EPT = _E // _NTILES
_CHUNK = 2000
_NCHUNK = _EPT // _CHUNK
_VPC = _CHUNK // _LANES
_NBLK = _E // 128
_CBLK = _CHUNK // 128 + 2

_mesh = plsc.VectorSubcoreMesh(core_axis_name="c", subcore_axis_name="s")


@functools.partial(
    pl.kernel,
    mesh=_mesh,
    out_type=jax.ShapeDtypeStruct((_NTILES, _NPAD), jnp.float32),
    compiler_params=pltpu.CompilerParams(
        needs_layout_passes=False, disable_bounds_checks=True),
    scratch_types=[
        pltpu.VMEM((_N,), jnp.float32),
        pltpu.VMEM((_NPAD,), jnp.float32),
        pltpu.VMEM((_CBLK * 256,), jnp.int32),
        pltpu.VMEM((_CBLK * 256,), jnp.int32),
        pltpu.VMEM((_CHUNK,), jnp.float32),
        pltpu.VMEM((_CHUNK,), jnp.float32),
        pltpu.SemaphoreType.DMA,
        pltpu.SemaphoreType.DMA,
        pltpu.SemaphoreType.DMA,
    ],
)
def _accumulate(z_hbm, si_hbm, w_hbm, out_hbm,
                z_v, acc_v, idx_a, idx_b, w_a, w_b, zsem, sem_a, sem_b):
    c = lax.axis_index("c")
    s = lax.axis_index("s")
    tid = s * 2 + c
    ebase = tid * _EPT

    z_copy = pltpu.make_async_copy(z_hbm, z_v, zsem)
    z_copy.start()

    def zero_body(i, carry):
        acc_v[pl.ds(pl.multiple_of(i * _LANES, _LANES), _LANES)] = (
            jnp.zeros((_LANES,), jnp.float32))
        return carry

    lax.fori_loop(0, _NPAD // _LANES, zero_body, 0, unroll=8)
    z_copy.wait()

    def chunk_off(j):
        e0 = ebase + j * _CHUNK
        sblk = jnp.minimum(lax.shift_right_logical(e0, 7), _NBLK - _CBLK)
        return e0, sblk

    def fetch(j, idxbuf, wbuf, sem):
        e0, sblk = chunk_off(j)
        pltpu.make_async_copy(
            si_hbm.at[pl.ds(pl.multiple_of(sblk * 256, 8), _CBLK * 256)],
            idxbuf, sem).start()
        pltpu.make_async_copy(
            w_hbm.at[pl.ds(pl.multiple_of(e0, 8), _CHUNK)],
            wbuf, sem).start()

    def wait_pair(idxbuf, wbuf, sem):
        pltpu.make_async_copy(
            si_hbm.at[pl.ds(0, _CBLK * 256)], idxbuf, sem).wait()
        pltpu.make_async_copy(
            w_hbm.at[pl.ds(0, _CHUNK)], wbuf, sem).wait()

    def process(j, idxbuf, wbuf):
        e0, sblk = chunk_off(j)

        @plsc.parallel_loop(0, _VPC, 1, unroll=8)
        def vec_body(i):
            e = e0 + i * _LANES
            boff = ((lax.shift_right_logical(e, 7) - sblk) * 256
                    + lax.bitwise_and(e, 127))
            post = idxbuf[pl.ds(pl.multiple_of(boff, _LANES), _LANES)]
            pre = idxbuf[pl.ds(pl.multiple_of(boff + 128, _LANES), _LANES)]
            z = plsc.load_gather(z_v, [pre])
            w = wbuf[pl.ds(pl.multiple_of(i * _LANES, _LANES), _LANES)]
            plsc.addupdate_scatter(acc_v, [post], w, mask=z > 0.0)

    fetch(0, idx_a, w_a, sem_a)

    def pair_body(p, carry):
        j0 = 2 * p
        fetch(j0 + 1, idx_b, w_b, sem_b)
        wait_pair(idx_a, w_a, sem_a)
        process(j0, idx_a, w_a)

        @pl.when(j0 + 2 < _NCHUNK)
        def _():
            fetch(j0 + 2, idx_a, w_a, sem_a)

        wait_pair(idx_b, w_b, sem_b)
        process(j0 + 1, idx_b, w_b)
        return carry

    lax.fori_loop(0, _NCHUNK // 2, pair_body, 0)

    pltpu.sync_copy(acc_v, out_hbm.at[tid])


def _combine_body(p_ref, o_ref):
    o_ref[...] = jnp.sum(p_ref[...], axis=0)


def kernel(rec_z_buf, synapse_indices, weight_values):
    z = rec_z_buf.reshape(-1)
    si = jnp.transpose(
        synapse_indices.reshape(_NBLK, 128, 2), (0, 2, 1)).reshape(-1)
    partials = _accumulate(z, si, weight_values)
    summed = pl.pallas_call(
        _combine_body,
        out_shape=jax.ShapeDtypeStruct((_NPAD,), jnp.float32),
    )(partials)
    return summed[:_N]

# --- scband reference (transcript-rebuilt; emitter-appended) ---
"""Pipeline reference for scband-billeh-column-14568529068195 (READ-ONLY COPY).

The authoritative reference and input builder live on the scoring server;
editing this copy changes nothing except your own understanding.
"""

import jax, jax.numpy as jnp
import numpy as np

N_NEURONS = 50000
N_EDGES = 3200000
BATCH = 1


def setup_inputs(seed: int = 0) -> dict:
    key = jax.random.key(seed)
    k1, k2, k3 = jax.random.split(key, 3)
    # rec_z_buf: recurrent spike buffer; only the sign (>0) matters in the forward
    rec_z_buf = jax.random.normal(k1, (BATCH, N_NEURONS), dtype=jnp.float32)
    # synapse_indices[:, 0] = postsynaptic neuron id, synapse_indices[:, 1] = presynaptic neuron id
    synapse_indices = jax.random.randint(k2, (N_EDGES, 2), 0, N_NEURONS, dtype=jnp.int32)
    # learned recurrent weights (SignedConstraint applied at train time; raw values here)
    weight_values = jax.random.normal(k3, (N_EDGES,), dtype=jnp.float32) * 0.1
    return {
        "rec_z_buf": rec_z_buf,
        "synapse_indices": synapse_indices,
        "weight_values": weight_values,
    }


def reference(rec_z_buf, synapse_indices, weight_values):
    """Faithful jax translation of BillehColumn's calculate_synaptic_currents.

    Original TF code: find spiking presynaptic neurons (rec_z_buf > 0), use a
    ragged pre->synapse table to gather all outgoing synapses of spiking
    neurons, then unsorted_segment_sum their weights into
    segment_ids = batch * n_post + post_neuron. Mathematically this equals:
        i_rec[b, post] = sum_e w[e] * 1[rec_z_buf[b, pre[e]] > 0]
    which we compute with the same gather + segment_sum primitives.
    """
    n_post = N_NEURONS  # dense_shape[0]
    post_idx = synapse_indices[:, 0]
    pre_idx = synapse_indices[:, 1]

    # spike indicator per presynaptic neuron (the custom op only checks > 0)
    spike_mask = (rec_z_buf > 0).astype(weight_values.dtype)  # [B, n_pre]

    # gather spike indicator onto every synapse (pre side)
    gathered = jnp.take(spike_mask, pre_idx, axis=1)          # [B, E]
    weighted = gathered * weight_values[None, :]              # [B, E]

    # scatter-add into postsynaptic neurons, per batch element
    seg_sum = jax.vmap(
        lambda row: jax.ops.segment_sum(row, post_idx, num_segments=n_post)
    )(weighted)                                               # [B, n_post]

    # original returns flat [batch * n_post] currents
    i_rec_flat = seg_sum.reshape(-1)
    return i_rec_flat

if __name__ == "__main__":
    import jax
    _d = setup_inputs()
    print(jax.jit(kernel)(*tuple(_d.values())))

</pallas_src>

<mosaic_0001>
#map = affine_map<(d0, d1) -> (0)>
#map1 = affine_map<(d0, d1) -> (0, 0)>
module attributes {stable_mosaic.version = 14 : i64} {
  func.func @_accumulate(%arg0: i32, %arg1: i32, %arg2: memref<50000xf32, #tpu.memory_space<hbm>>, %arg3: memref<6400000xi32, #tpu.memory_space<hbm>>, %arg4: memref<3200000xf32, #tpu.memory_space<hbm>>, %arg5: memref<32x50176xf32, #tpu.memory_space<hbm>>, %arg6: memref<50000xf32, #tpu.memory_space<vmem>>, %arg7: memref<50176xf32, #tpu.memory_space<vmem>>, %arg8: memref<4352xi32, #tpu.memory_space<vmem>>, %arg9: memref<4352xi32, #tpu.memory_space<vmem>>, %arg10: memref<2000xf32, #tpu.memory_space<vmem>>, %arg11: memref<2000xf32, #tpu.memory_space<vmem>>, %arg12: memref<!tpu.dma_semaphore, #tpu.memory_space<semaphore_mem>>, %arg13: memref<!tpu.dma_semaphore, #tpu.memory_space<semaphore_mem>>, %arg14: memref<!tpu.dma_semaphore, #tpu.memory_space<semaphore_mem>>) attributes {dimension_semantics = [#tpu.dimension_semantics<core_parallel>, #tpu.dimension_semantics<subcore_parallel>], iteration_bounds = array<i64: 2, 16>, scalar_prefetch = 0 : i64, scratch_operands = 9 : i64, tpu.core_type = #tpu.core_type<sc_vector_subcore>, window_params = [{transform_indices = #map}, {transform_indices = #map}, {transform_indices = #map}, {transform_indices = #map1}]} {
    %mul3A = arith.constant 2 : i32
    %mul3A_0 = arith.muli %arg1, %mul3A : i32
    %add3A = arith.addi %mul3A_0, %arg0 : i32
    %mul3A_1 = arith.constant 100000 : i32
    %mul3A_2 = arith.muli %add3A, %mul3A_1 : i32
    tpu.enqueue_dma source(%arg2 : memref<50000xf32, #tpu.memory_space<hbm>>) target(%arg6 : memref<50000xf32, #tpu.memory_space<vmem>>) target_semaphore(%arg12 : memref<!tpu.dma_semaphore, #tpu.memory_space<semaphore_mem>>)
    %scan3A = arith.constant 0 : i32
    %scan3A_3 = arith.constant 0 : i32
    %scan3A_4 = arith.constant 3136 : i32
    %scan3A_5 = arith.addi %scan3A_3, %scan3A_4 : i32
    %scan3A_6 = arith.constant 8 : i32
    scf.for %scan3A_24 = %scan3A_3 to %scan3A_5 step %scan3A_6  : i32 {
      %broadcast_in_dim3A = arith.constant 0.000000e+00 : f32
      %broadcast_in_dim3A_25 = vector.broadcast %broadcast_in_dim3A : f32 to vector<16xf32>
      %mul3A_26 = arith.constant 16 : i32
      %mul3A_27 = arith.muli %scan3A_24, %mul3A_26 : i32
      %multiple_of3A_28 = tpu.assume_multiple %mul3A_27, 16 : i32
      %swap3A = arith.index_cast %multiple_of3A_28 : i32 to index
      %swap3A_29 = tpu.vector_load %arg7[%swap3A] {strides = array<i32>} : memref<50176xf32, #tpu.memory_space<vmem>>, vector<16xf32>,
      tpu.vector_store %arg7[%swap3A], %broadcast_in_dim3A_25 {strides = array<i32>} : memref<50176xf32, #tpu.memory_space<vmem>>, vector<16xf32>,
      %scan3A_30 = arith.constant 1 : i32
      %scan3A_31 = arith.addi %scan3A_24, %scan3A_30 : i32
      %broadcast_in_dim3A_32 = arith.constant 0.000000e+00 : f32
      %broadcast_in_dim3A_33 = vector.broadcast %broadcast_in_dim3A_32 : f32 to vector<16xf32>
      %mul3A_34 = arith.constant 16 : i32
      %mul3A_35 = arith.muli %scan3A_31, %mul3A_34 : i32
      %multiple_of3A_36 = tpu.assume_multiple %mul3A_35, 16 : i32
      %swap3A_37 = arith.index_cast %multiple_of3A_36 : i32 to index
      %swap3A_38 = tpu.vector_load %arg7[%swap3A_37] {strides = array<i32>} : memref<50176xf32, #tpu.memory_space<vmem>>, vector<16xf32>,
      tpu.vector_store %arg7[%swap3A_37], %broadcast_in_dim3A_33 {strides = array<i32>} : memref<50176xf32, #tpu.memory_space<vmem>>, vector<16xf32>,
      %scan3A_39 = arith.constant 2 : i32
      %scan3A_40 = arith.addi %scan3A_24, %scan3A_39 : i32
      %broadcast_in_dim3A_41 = arith.constant 0.000000e+00 : f32
      %broadcast_in_dim3A_42 = vector.broadcast %broadcast_in_dim3A_41 : f32 to vector<16xf32>
      %mul3A_43 = arith.constant 16 : i32
      %mul3A_44 = arith.muli %scan3A_40, %mul3A_43 : i32
      %multiple_of3A_45 = tpu.assume_multiple %mul3A_44, 16 : i32
      %swap3A_46 = arith.index_cast %multiple_of3A_45 : i32 to index
      %swap3A_47 = tpu.vector_load %arg7[%swap3A_46] {strides = array<i32>} : memref<50176xf32, #tpu.memory_space<vmem>>, vector<16xf32>,
      tpu.vector_store %arg7[%swap3A_46], %broadcast_in_dim3A_42 {strides = array<i32>} : memref<50176xf32, #tpu.memory_space<vmem>>, vector<16xf32>,
      %scan3A_48 = arith.constant 3 : i32
      %scan3A_49 = arith.addi %scan3A_24, %scan3A_48 : i32
      %broadcast_in_dim3A_50 = arith.constant 0.000000e+00 : f32
      %broadcast_in_dim3A_51 = vector.broadcast %broadcast_in_dim3A_50 : f32 to vector<16xf32>
      %mul3A_52 = arith.constant 16 : i32
      %mul3A_53 = arith.muli %scan3A_49, %mul3A_52 : i32
      %multiple_of3A_54 = tpu.assume_multiple %mul3A_53, 16 : i32
      %swap3A_55 = arith.index_cast %multiple_of3A_54 : i32 to index
      %swap3A_56 = tpu.vector_load %arg7[%swap3A_55] {strides = array<i32>} : memref<50176xf32, #tpu.memory_space<vmem>>, vector<16xf32>,
      tpu.vector_store %arg7[%swap3A_55], %broadcast_in_dim3A_51 {strides = array<i32>} : memref<50176xf32, #tpu.memory_space<vmem>>, vector<16xf32>,
      %scan3A_57 = arith.constant 4 : i32
      %scan3A_58 = arith.addi %scan3A_24, %scan3A_57 : i32
      %broadcast_in_dim3A_59 = arith.constant 0.000000e+00 : f32
      %broadcast_in_dim3A_60 = vector.broadcast %broadcast_in_dim3A_59 : f32 to vector<16xf32>
      %mul3A_61 = arith.constant 16 : i32
      %mul3A_62 = arith.muli %scan3A_58, %mul3A_61 : i32
      %multiple_of3A_63 = tpu.assume_multiple %mul3A_62, 16 : i32
      %swap3A_64 = arith.index_cast %multiple_of3A_63 : i32 to index
      %swap3A_65 = tpu.vector_load %arg7[%swap3A_64] {strides = array<i32>} : memref<50176xf32, #tpu.memory_space<vmem>>, vector<16xf32>,
      tpu.vector_store %arg7[%swap3A_64], %broadcast_in_dim3A_60 {strides = array<i32>} : memref<50176xf32, #tpu.memory_space<vmem>>, vector<16xf32>,
      %scan3A_66 = arith.constant 5 : i32
      %scan3A_67 = arith.addi %scan3A_24, %scan3A_66 : i32
      %broadcast_in_dim3A_68 = arith.constant 0.000000e+00 : f32
      %broadcast_in_dim3A_69 = vector.broadcast %broadcast_in_dim3A_68 : f32 to vector<16xf32>
      %mul3A_70 = arith.constant 16 : i32
      %mul3A_71 = arith.muli %scan3A_67, %mul3A_70 : i32
      %multiple_of3A_72 = tpu.assume_multiple %mul3A_71, 16 : i32
      %swap3A_73 = arith.index_cast %multiple_of3A_72 : i32 to index
      %swap3A_74 = tpu.vector_load %arg7[%swap3A_73] {strides = array<i32>} : memref<50176xf32, #tpu.memory_space<vmem>>, vector<16xf32>,
      tpu.vector_store %arg7[%swap3A_73], %broadcast_in_dim3A_69 {strides = array<i32>} : memref<50176xf32, #tpu.memory_space<vmem>>, vector<16xf32>,
      %scan3A_75 = arith.constant 6 : i32
      %scan3A_76 = arith.addi %scan3A_24, %scan3A_75 : i32
      %broadcast_in_dim3A_77 = arith.constant 0.000000e+00 : f32
      %broadcast_in_dim3A_78 = vector.broadcast %broadcast_in_dim3A_77 : f32 to vector<16xf32>
      %mul3A_79 = arith.constant 16 : i32
      %mul3A_80 = arith.muli %scan3A_76, %mul3A_79 : i32
      %multiple_of3A_81 = tpu.assume_multiple %mul3A_80, 16 : i32
      %swap3A_82 = arith.index_cast %multiple_of3A_81 : i32 to index
      %swap3A_83 = tpu.vector_load %arg7[%swap3A_82] {strides = array<i32>} : memref<50176xf32, #tpu.memory_space<vmem>>, vector<16xf32>,
      tpu.vector_store %arg7[%swap3A_82], %broadcast_in_dim3A_78 {strides = array<i32>} : memref<50176xf32, #tpu.memory_space<vmem>>, vector<16xf32>,
      %scan3A_84 = arith.constant 7 : i32
      %scan3A_85 = arith.addi %scan3A_24, %scan3A_84 : i32
      %broadcast_in_dim3A_86 = arith.constant 0.000000e+00 : f32
      %broadcast_in_dim3A_87 = vector.broadcast %broadcast_in_dim3A_86 : f32 to vector<16xf32>
      %mul3A_88 = arith.constant 16 : i32
      %mul3A_89 = arith.muli %scan3A_85, %mul3A_88 : i32
      %multiple_of3A_90 = tpu.assume_multiple %mul3A_89, 16 : i32
      %swap3A_91 = arith.index_cast %multiple_of3A_90 : i32 to index
      %swap3A_92 = tpu.vector_load %arg7[%swap3A_91] {strides = array<i32>} : memref<50176xf32, #tpu.memory_space<vmem>>, vector<16xf32>,
      tpu.vector_store %arg7[%swap3A_91], %broadcast_in_dim3A_87 {strides = array<i32>} : memref<50176xf32, #tpu.memory_space<vmem>>, vector<16xf32>,
    }
    %scan3A_7 = arith.constant 3136 : i32
    tpu.wait_dma2 semaphore(%arg12 : memref<!tpu.dma_semaphore, #tpu.memory_space<semaphore_mem>>) src(%arg2 : memref<50000xf32, #tpu.memory_space<hbm>>) dst(%arg6 : memref<50000xf32, #tpu.memory_space<vmem>>)
    %add3A_8 = arith.constant 0 : i32
    %add3A_9 = arith.addi %mul3A_2, %add3A_8 : i32
    %shift_right_logical3A = arith.constant 7 : i32
    %shift_right_logical3A_10 = arith.shrui %add3A_9, %shift_right_logical3A : i32
    %min3A = arith.constant 24983 : i32
    %min3A_11 = arith.minsi %shift_right_logical3A_10, %min3A : i32
    %mul3A_12 = arith.constant 256 : i32
    %mul3A_13 = arith.muli %min3A_11, %mul3A_12 : i32
    %multiple_of3A = tpu.assume_multiple %mul3A_13, 8 : i32
    %dma_start3A = tpu.memref_slice %arg3[%multiple_of3A] : memref<6400000xi32, #tpu.memory_space<hbm>> -> memref<4352xi32, #tpu.memory_space<hbm>>
    %dma_start3A_14 = tpu.memref_slice %arg3[%multiple_of3A] : memref<6400000xi32, #tpu.memory_space<hbm>> -> memref<4352xi32, #tpu.memory_space<hbm>>
    tpu.enqueue_dma source(%dma_start3A_14 : memref<4352xi32, #tpu.memory_space<hbm>>) target(%arg8 : memref<4352xi32, #tpu.memory_space<vmem>>) target_semaphore(%arg13 : memref<!tpu.dma_semaphore, #tpu.memory_space<semaphore_mem>>)
    %multiple_of3A_15 = tpu.assume_multiple %add3A_9, 8 : i32
    %dma_start3A_16 = tpu.memref_slice %arg4[%multiple_of3A_15] : memref<3200000xf32, #tpu.memory_space<hbm>> -> memref<2000xf32, #tpu.memory_space<hbm>>
    %dma_start3A_17 = tpu.memref_slice %arg4[%multiple_of3A_15] : memref<3200000xf32, #tpu.memory_space<hbm>> -> memref<2000xf32, #tpu.memory_space<hbm>>
    tpu.enqueue_dma source(%dma_start3A_17 : memref<2000xf32, #tpu.memory_space<hbm>>) target(%arg10 : memref<2000xf32, #tpu.memory_space<vmem>>) target_semaphore(%arg13 : memref<!tpu.dma_semaphore, #tpu.memory_space<semaphore_mem>>)
    %scan3A_18 = arith.constant 0 : i32
    %scan3A_19 = arith.constant 0 : i32
    %scan3A_20 = arith.constant 25 : i32
    %scan3A_21 = arith.addi %scan3A_19, %scan3A_20 : i32
    %scan3A_22 = arith.constant 1 : i32
    scf.for %scan3A_24 = %scan3A_19 to %scan3A_21 step %scan3A_22  : i32 {
      %mul3A_25 = arith.constant 2 : i32
      %mul3A_26 = arith.muli %mul3A_25, %scan3A_24 : i32
      %add3A_27 = arith.constant 1 : i32
      %add3A_28 = arith.addi %mul3A_26, %add3A_27 : i32
      %mul3A_29 = arith.constant 2000 : i32
      %mul3A_30 = arith.muli %add3A_28, %mul3A_29 : i32
      %add3A_31 = arith.addi %mul3A_2, %mul3A_30 : i32
      %shift_right_logical3A_32 = arith.constant 7 : i32
      %shift_right_logical3A_33 = arith.shrui %add3A_31, %shift_right_logical3A_32 : i32
      %min3A_34 = arith.constant 24983 : i32
      %min3A_35 = arith.minsi %shift_right_logical3A_33, %min3A_34 : i32
      %mul3A_36 = arith.constant 256 : i32
      %mul3A_37 = arith.muli %min3A_35, %mul3A_36 : i32
      %multiple_of3A_38 = tpu.assume_multiple %mul3A_37, 8 : i32
      %dma_start3A_39 = tpu.memref_slice %arg3[%multiple_of3A_38] : memref<6400000xi32, #tpu.memory_space<hbm>> -> memref<4352xi32, #tpu.memory_space<hbm>>
      %dma_start3A_40 = tpu.memref_slice %arg3[%multiple_of3A_38] : memref<6400000xi32, #tpu.memory_space<hbm>> -> memref<4352xi32, #tpu.memory_space<hbm>>
      tpu.enqueue_dma source(%dma_start3A_40 : memref<4352xi32, #tpu.memory_space<hbm>>) target(%arg9 : memref<4352xi32, #tpu.memory_space<vmem>>) target_semaphore(%arg14 : memref<!tpu.dma_semaphore, #tpu.memory_space<semaphore_mem>>)
      %multiple_of3A_41 = tpu.assume_multiple %add3A_31, 8 : i32
      %dma_start3A_42 = tpu.memref_slice %arg4[%multiple_of3A_41] : memref<3200000xf32, #tpu.memory_space<hbm>> -> memref<2000xf32, #tpu.memory_space<hbm>>
      %dma_start3A_43 = tpu.memref_slice %arg4[%multiple_of3A_41] : memref<3200000xf32, #tpu.memory_space<hbm>> -> memref<2000xf32, #tpu.memory_space<hbm>>
      tpu.enqueue_dma source(%dma_start3A_43 : memref<2000xf32, #tpu.memory_space<hbm>>) target(%arg11 : memref<2000xf32, #tpu.memory_space<vmem>>) target_semaphore(%arg14 : memref<!tpu.dma_semaphore, #tpu.memory_space<semaphore_mem>>)
      %dma_wait3A = arith.constant 0 : i32
      %dma_wait3A_44 = tpu.memref_slice %arg3[%dma_wait3A] : memref<6400000xi32, #tpu.memory_space<hbm>> -> memref<4352xi32, #tpu.memory_space<hbm>>
      %dma_wait3A_45 = arith.constant 0 : i32
      %dma_wait3A_46 = tpu.memref_slice %arg3[%dma_wait3A_45] : memref<6400000xi32, #tpu.memory_space<hbm>> -> memref<4352xi32, #tpu.memory_space<hbm>>
      tpu.wait_dma2 semaphore(%arg13 : memref<!tpu.dma_semaphore, #tpu.memory_space<semaphore_mem>>) src(%dma_wait3A_46 : memref<4352xi32, #tpu.memory_space<hbm>>) dst(%arg8 : memref<4352xi32, #tpu.memory_space<vmem>>)
      %dma_wait3A_47 = arith.constant 0 : i32
      %dma_wait3A_48 = tpu.memref_slice %arg4[%dma_wait3A_47] : memref<3200000xf32, #tpu.memory_space<hbm>> -> memref<2000xf32, #tpu.memory_space<hbm>>
      %dma_wait3A_49 = arith.constant 0 : i32
      %dma_wait3A_50 = tpu.memref_slice %arg4[%dma_wait3A_49] : memref<3200000xf32, #tpu.memory_space<hbm>> -> memref<2000xf32, #tpu.memory_space<hbm>>
      tpu.wait_dma2 semaphore(%arg13 : memref<!tpu.dma_semaphore, #tpu.memory_space<semaphore_mem>>) src(%dma_wait3A_50 : memref<2000xf32, #tpu.memory_space<hbm>>) dst(%arg10 : memref<2000xf32, #tpu.memory_space<vmem>>)
      %mul3A_51 = arith.constant 2000 : i32
      %mul3A_52 = arith.muli %mul3A_26, %mul3A_51 : i32
      %add3A_53 = arith.addi %mul3A_2, %mul3A_52 : i32
      %shift_right_logical3A_54 = arith.constant 7 : i32
      %shift_right_logical3A_55 = arith.shrui %add3A_53, %shift_right_logical3A_54 : i32
      %min3A_56 = arith.constant 24983 : i32
      %min3A_57 = arith.minsi %shift_right_logical3A_55, %min3A_56 : i32
      %parallel_loop3A = arith.constant 0 : i32
      %parallel_loop3A_58 = arith.constant 125 : i32
      %parallel_loop3A_59 = arith.constant 1 : i32
      scf.for %parallel_loop3A_84 = %parallel_loop3A to %parallel_loop3A_58 step %parallel_loop3A_59  : i32 {
        %parallel_loop3A_85 = arith.constant 16 : i32
        %parallel_loop3A_86 = arith.muli %parallel_loop3A_84, %parallel_loop3A_85 : i32
        %parallel_loop3A_87 = arith.addi %add3A_53, %parallel_loop3A_86 : i32
        %parallel_loop3A_88 = arith.constant 7 : i32
        %parallel_loop3A_89 = arith.shrui %parallel_loop3A_87, %parallel_loop3A_88 : i32
        %parallel_loop3A_90 = arith.subi %parallel_loop3A_89, %min3A_57 : i32
        %parallel_loop3A_91 = arith.constant 256 : i32
        %parallel_loop3A_92 = arith.muli %parallel_loop3A_90, %parallel_loop3A_91 : i32
        %parallel_loop3A_93 = arith.constant 127 : i32
        %parallel_loop3A_94 = arith.andi %parallel_loop3A_87, %parallel_loop3A_93 : i32
        %parallel_loop3A_95 = arith.addi %parallel_loop3A_92, %parallel_loop3A_94 : i32
        %parallel_loop3A_96 = tpu.assume_multiple %parallel_loop3A_95, 16 : i32
        %parallel_loop3A_97 = arith.index_cast %parallel_loop3A_96 : i32 to index
        %parallel_loop3A_98 = tpu.vector_load %arg8[%parallel_loop3A_97] {strides = array<i32>} : memref<4352xi32, #tpu.memory_space<vmem>>, vector<16xi32>,
        %parallel_loop3A_99 = arith.constant 128 : i32
        %parallel_loop3A_100 = arith.addi %parallel_loop3A_95, %parallel_loop3A_99 : i32
        %parallel_loop3A_101 = tpu.assume_multiple %parallel_loop3A_100, 16 : i32
        %parallel_loop3A_102 = arith.index_cast %parallel_loop3A_101 : i32 to index
        %parallel_loop3A_103 = tpu.vector_load %arg8[%parallel_loop3A_102] {strides = array<i32>} : memref<4352xi32, #tpu.memory_space<vmem>>, vector<16xi32>,
        %parallel_loop3A_104 = tpu.vector_load_idx %arg6[%parallel_loop3A_103] : memref<50000xf32, #tpu.memory_space<vmem>>[vector<16xi32>], vector<16xf32>,
        %parallel_loop3A_105 = arith.constant 16 : i32
        %parallel_loop3A_106 = arith.muli %parallel_loop3A_84, %parallel_loop3A_105 : i32
        %parallel_loop3A_107 = tpu.assume_multiple %parallel_loop3A_106, 16 : i32
        %parallel_loop3A_108 = arith.index_cast %parallel_loop3A_107 : i32 to index
        %parallel_loop3A_109 = tpu.vector_load %arg10[%parallel_loop3A_108] {strides = array<i32>} : memref<2000xf32, #tpu.memory_space<vmem>>, vector<16xf32>,
        %parallel_loop3A_110 = arith.constant 0.000000e+00 : f32
        %parallel_loop3A_111 = vector.broadcast %parallel_loop3A_110 : f32 to vector<16xf32>
        %parallel_loop3A_112 = arith.cmpf ogt, %parallel_loop3A_104, %parallel_loop3A_111 : vector<16xf32>
        tpu.vector_store_idx %arg7[%parallel_loop3A_98], %parallel_loop3A_109 masked %parallel_loop3A_112 {add = true} : memref<50176xf32, #tpu.memory_space<vmem>>[vector<16xi32>], vector<16xf32>, vector<16xi1>
      } {sc.loop_unroll_factor = 8 : i64, sc.parallel_access}
      %add3A_60 = arith.constant 2 : i32
      %add3A_61 = arith.addi %mul3A_26, %add3A_60 : i32
      %lt3A = arith.constant 50 : i32
      %lt3A_62 = arith.cmpi slt, %add3A_61, %lt3A : i32
      %convert_element_type3A = arith.extui %lt3A_62 : i1 to i32
      %cond3A = arith.constant 0 : i32
      %cond3A_63 = arith.cmpi ne, %convert_element_type3A, %cond3A : i32
      scf.if %cond3A_63 {
        %add3A_84 = arith.constant 2 : i32
        %add3A_85 = arith.addi %mul3A_26, %add3A_84 : i32
        %mul3A_86 = arith.constant 2000 : i32
        %mul3A_87 = arith.muli %add3A_85, %mul3A_86 : i32
        %add3A_88 = arith.addi %mul3A_2, %mul3A_87 : i32
        %shift_right_logical3A_89 = arith.constant 7 : i32
        %shift_right_logical3A_90 = arith.shrui %add3A_88, %shift_right_logical3A_89 : i32
        %min3A_91 = arith.constant 24983 : i32
        %min3A_92 = arith.minsi %shift_right_logical3A_90, %min3A_91 : i32
        %mul3A_93 = arith.constant 256 : i32
        %mul3A_94 = arith.muli %min3A_92, %mul3A_93 : i32
        %multiple_of3A_95 = tpu.assume_multiple %mul3A_94, 8 : i32
        %dma_start3A_96 = tpu.memref_slice %arg3[%multiple_of3A_95] : memref<6400000xi32, #tpu.memory_space<hbm>> -> memref<4352xi32, #tpu.memory_space<hbm>>
        %dma_start3A_97 = tpu.memref_slice %arg3[%multiple_of3A_95] : memref<6400000xi32, #tpu.memory_space<hbm>> -> memref<4352xi32, #tpu.memory_space<hbm>>
        tpu.enqueue_dma source(%dma_start3A_97 : memref<4352xi32, #tpu.memory_space<hbm>>) target(%arg8 : memref<4352xi32, #tpu.memory_space<vmem>>) target_semaphore(%arg13 : memref<!tpu.dma_semaphore, #tpu.memory_space<semaphore_mem>>)
        %multiple_of3A_98 = tpu.assume_multiple %add3A_88, 8 : i32
        %dma_start3A_99 = tpu.memref_slice %arg4[%multiple_of3A_98] : memref<3200000xf32, #tpu.memory_space<hbm>> -> memref<2000xf32, #tpu.memory_space<hbm>>
        %dma_start3A_100 = tpu.memref_slice %arg4[%multiple_of3A_98] : memref<3200000xf32, #tpu.memory_space<hbm>> -> memref<2000xf32, #tpu.memory_space<hbm>>
        tpu.enqueue_dma source(%dma_start3A_100 : memref<2000xf32, #tpu.memory_space<hbm>>) target(%arg10 : memref<2000xf32, #tpu.memory_space<vmem>>) target_semaphore(%arg13 : memref<!tpu.dma_semaphore, #tpu.memory_space<semaphore_mem>>)
      } else {
      }
      %dma_wait3A_64 = arith.constant 0 : i32
      %dma_wait3A_65 = tpu.memref_slice %arg3[%dma_wait3A_64] : memref<6400000xi32, #tpu.memory_space<hbm>> -> memref<4352xi32, #tpu.memory_space<hbm>>
      %dma_wait3A_66 = arith.constant 0 : i32
      %dma_wait3A_67 = tpu.memref_slice %arg3[%dma_wait3A_66] : memref<6400000xi32, #tpu.memory_space<hbm>> -> memref<4352xi32, #tpu.memory_space<hbm>>
      tpu.wait_dma2 semaphore(%arg14 : memref<!tpu.dma_semaphore, #tpu.memory_space<semaphore_mem>>) src(%dma_wait3A_67 : memref<4352xi32, #tpu.memory_space<hbm>>) dst(%arg9 : memref<4352xi32, #tpu.memory_space<vmem>>)
      %dma_wait3A_68 = arith.constant 0 : i32
      %dma_wait3A_69 = tpu.memref_slice %arg4[%dma_wait3A_68] : memref<3200000xf32, #tpu.memory_space<hbm>> -> memref<2000xf32, #tpu.memory_space<hbm>>
      %dma_wait3A_70 = arith.constant 0 : i32
      %dma_wait3A_71 = tpu.memref_slice %arg4[%dma_wait3A_70] : memref<3200000xf32, #tpu.memory_space<hbm>> -> memref<2000xf32, #tpu.memory_space<hbm>>
      tpu.wait_dma2 semaphore(%arg14 : memref<!tpu.dma_semaphore, #tpu.memory_space<semaphore_mem>>) src(%dma_wait3A_71 : memref<2000xf32, #tpu.memory_space<hbm>>) dst(%arg11 : memref<2000xf32, #tpu.memory_space<vmem>>)
      %add3A_72 = arith.constant 1 : i32
      %add3A_73 = arith.addi %mul3A_26, %add3A_72 : i32
      %mul3A_74 = arith.constant 2000 : i32
      %mul3A_75 = arith.muli %add3A_73, %mul3A_74 : i32
      %add3A_76 = arith.addi %mul3A_2, %mul3A_75 : i32
      %shift_right_logical3A_77 = arith.constant 7 : i32
      %shift_right_logical3A_78 = arith.shrui %add3A_76, %shift_right_logical3A_77 : i32
      %min3A_79 = arith.constant 24983 : i32
      %min3A_80 = arith.minsi %shift_right_logical3A_78, %min3A_79 : i32
      %parallel_loop3A_81 = arith.constant 0 : i32
      %parallel_loop3A_82 = arith.constant 125 : i32
      %parallel_loop3A_83 = arith.constant 1 : i32
      scf.for %parallel_loop3A_84 = %parallel_loop3A_81 to %parallel_loop3A_82 step %parallel_loop3A_83  : i32 {
        %parallel_loop3A_85 = arith.constant 16 : i32
        %parallel_loop3A_86 = arith.muli %parallel_loop3A_84, %parallel_loop3A_85 : i32
        %parallel_loop3A_87 = arith.addi %add3A_76, %parallel_loop3A_86 : i32
        %parallel_loop3A_88 = arith.constant 7 : i32
        %parallel_loop3A_89 = arith.shrui %parallel_loop3A_87, %parallel_loop3A_88 : i32
        %parallel_loop3A_90 = arith.subi %parallel_loop3A_89, %min3A_80 : i32
        %parallel_loop3A_91 = arith.constant 256 : i32
        %parallel_loop3A_92 = arith.muli %parallel_loop3A_90, %parallel_loop3A_91 : i32
        %parallel_loop3A_93 = arith.constant 127 : i32
        %parallel_loop3A_94 = arith.andi %parallel_loop3A_87, %parallel_loop3A_93 : i32
        %parallel_loop3A_95 = arith.addi %parallel_loop3A_92, %parallel_loop3A_94 : i32
        %parallel_loop3A_96 = tpu.assume_multiple %parallel_loop3A_95, 16 : i32
        %parallel_loop3A_97 = arith.index_cast %parallel_loop3A_96 : i32 to index
        %parallel_loop3A_98 = tpu.vector_load %arg9[%parallel_loop3A_97] {strides = array<i32>} : memref<4352xi32, #tpu.memory_space<vmem>>, vector<16xi32>,
        %parallel_loop3A_99 = arith.constant 128 : i32
        %parallel_loop3A_100 = arith.addi %parallel_loop3A_95, %parallel_loop3A_99 : i32
        %parallel_loop3A_101 = tpu.assume_multiple %parallel_loop3A_100, 16 : i32
        %parallel_loop3A_102 = arith.index_cast %parallel_loop3A_101 : i32 to index
        %parallel_loop3A_103 = tpu.vector_load %arg9[%parallel_loop3A_102] {strides = array<i32>} : memref<4352xi32, #tpu.memory_space<vmem>>, vector<16xi32>,
        %parallel_loop3A_104 = tpu.vector_load_idx %arg6[%parallel_loop3A_103] : memref<50000xf32, #tpu.memory_space<vmem>>[vector<16xi32>], vector<16xf32>,
        %parallel_loop3A_105 = arith.constant 16 : i32
        %parallel_loop3A_106 = arith.muli %parallel_loop3A_84, %parallel_loop3A_105 : i32
        %parallel_loop3A_107 = tpu.assume_multiple %parallel_loop3A_106, 16 : i32
        %parallel_loop3A_108 = arith.index_cast %parallel_loop3A_107 : i32 to index
        %parallel_loop3A_109 = tpu.vector_load %arg11[%parallel_loop3A_108] {strides = array<i32>} : memref<2000xf32, #tpu.memory_space<vmem>>, vector<16xf32>,
        %parallel_loop3A_110 = arith.constant 0.000000e+00 : f32
        %parallel_loop3A_111 = vector.broadcast %parallel_loop3A_110 : f32 to vector<16xf32>
        %parallel_loop3A_112 = arith.cmpf ogt, %parallel_loop3A_104, %parallel_loop3A_111 : vector<16xf32>
        tpu.vector_store_idx %arg7[%parallel_loop3A_98], %parallel_loop3A_109 masked %parallel_loop3A_112 {add = true} : memref<50176xf32, #tpu.memory_space<vmem>>[vector<16xi32>], vector<16xf32>, vector<16xi1>
      } {sc.loop_unroll_factor = 8 : i64, sc.parallel_access}
    }
    %scan3A_23 = arith.constant 25 : i32
    "tpu.region"() ({
      %run_scoped3A = tpu.sem_alloc : memref<!tpu.dma_semaphore, #tpu.memory_space<semaphore_mem>>
      %dma_start3A_24 = arith.constant 0 : i32
      %dma_start3A_25 = tpu.memref_slice %arg5[%add3A, %dma_start3A_24] : memref<32x50176xf32, #tpu.memory_space<hbm>> -> memref<1x50176xf32, #tpu.memory_space<hbm>>
      %dma_start3A_26 = tpu.memref_squeeze %dma_start3A_25 : memref<1x50176xf32, #tpu.memory_space<hbm>> -> memref<50176xf32, #tpu.memory_space<hbm>>
      %dma_start3A_27 = arith.constant 0 : i32
      %dma_start3A_28 = tpu.memref_slice %arg5[%add3A, %dma_start3A_27] : memref<32x50176xf32, #tpu.memory_space<hbm>> -> memref<1x50176xf32, #tpu.memory_space<hbm>>
      %dma_start3A_29 = tpu.memref_squeeze %dma_start3A_28 : memref<1x50176xf32, #tpu.memory_space<hbm>> -> memref<50176xf32, #tpu.memory_space<hbm>>
      tpu.enqueue_dma source(%arg7 : memref<50176xf32, #tpu.memory_space<vmem>>) target(%dma_start3A_29 : memref<50176xf32, #tpu.memory_space<hbm>>) target_semaphore(%run_scoped3A : memref<!tpu.dma_semaphore, #tpu.memory_space<semaphore_mem>>)
      %dma_wait3A = arith.constant 0 : i32
      %dma_wait3A_30 = tpu.memref_slice %arg5[%add3A, %dma_wait3A] : memref<32x50176xf32, #tpu.memory_space<hbm>> -> memref<1x50176xf32, #tpu.memory_space<hbm>>
      %dma_wait3A_31 = tpu.memref_squeeze %dma_wait3A_30 : memref<1x50176xf32, #tpu.memory_space<hbm>> -> memref<50176xf32, #tpu.memory_space<hbm>>
      %dma_wait3A_32 = arith.constant 0 : i32
      %dma_wait3A_33 = tpu.memref_slice %arg5[%add3A, %dma_wait3A_32] : memref<32x50176xf32, #tpu.memory_space<hbm>> -> memref<1x50176xf32, #tpu.memory_space<hbm>>
      %dma_wait3A_34 = tpu.memref_squeeze %dma_wait3A_33 : memref<1x50176xf32, #tpu.memory_space<hbm>> -> memref<50176xf32, #tpu.memory_space<hbm>>
      tpu.wait_dma2 semaphore(%run_scoped3A : memref<!tpu.dma_semaphore, #tpu.memory_space<semaphore_mem>>) src(%arg7 : memref<50176xf32, #tpu.memory_space<vmem>>) dst(%dma_wait3A_34 : memref<50176xf32, #tpu.memory_space<hbm>>)
      tpu.yield
    }) : () -> ()
    return
  }
}

module attributes {stable_mosaic.version = 14 : i64} {
  func.func @_combine_body(%arg0: memref<32x50176xf32, #tpu.memory_space<vmem>>, %arg1: memref<50176xf32, #tpu.memory_space<vmem>>) attributes {dimension_semantics = [], scalar_prefetch = 0 : i64, scratch_operands = 0 : i64, tpu.core_type = #tpu.core_type<tc>} {
    %get3A = arith.constant 0 : index
    %get3A_0 = arith.constant 0 : index
    %get3A_1 = vector.load %arg0[%get3A, %get3A_0] : memref<32x50176xf32, #tpu.memory_space<vmem>>, vector<32x50176xf32>
    %reduce_sum3A = arith.constant dense<0.000000e+00> : vector<50176xf32>
    %reduce_sum3A_2 = vector.multi_reduction <add>, %get3A_1, %reduce_sum3A [0] : vector<32x50176xf32> to vector<50176xf32>
    %swap3A = arith.constant 0 : index
    %swap3A_3 = vector.load %arg1[%swap3A] : memref<50176xf32, #tpu.memory_space<vmem>>, vector<50176xf32>
    tpu.vector_store %arg1[%swap3A], %reduce_sum3A_2 {strides = array<i32>} : memref<50176xf32, #tpu.memory_space<vmem>>, vector<50176xf32>,
    return
  }
}

</mosaic_0001>

<sc_bundles>
// kernel: kernel.4.cloned.1.call-start
scs
__scs_entry_jumppad:
0x0: {  	(pc) =	sbr.rel $0x88, $3  }
0x1: {  	(tag) =	ssettag $0x0;
	lr =	simm.s32 $0x1  }
0x2: {  	[smem:$0x3F9E] =	sst lr;
	_ =	strace $0xD0000000  }
0x3: {  	_ = 	snop  }
0x4: {  	_ = 	snop  }
0x5: {  	_ = 	snop  }
0x6: {  	_ = 	snop  }
0x7: {  	_ = 	snop  }
__scs_overlays_trampoline_lowered:
0x8: {  	[smem:$0x3FAD] =	sst s0  }
0x9: {  	[smem:$0x3FAE] =	sst s1  }
0xa: {  	[smem:$0x3FAF] =	sst s2  }
0xb: {  	[smem:$0x3FB0] =	sst s3  }
0xc: {  	[smem:$0x3FB1] =	sst s4  }
0xd: {  	[smem:$0x3FB2] =	sst s5  }
0xe: {  	[smem:$0x3FB3] =	sst s6  }
0xf: {  	[smem:$0x3FB4] =	sst s7  }
0x10: {  	[smem:$0x3FB5] =	sst s8  }
0x11: {  	[smem:$0x3FB6] =	sst s9;
	s0 =	simm.s32 @!p0 $0x0  }
0x12: {  	s1 =	sld [smem:$0x3F9C];
	s0 =	simm.s32 @p0 $0x1  }
0x13: {  	[smem:$0x3FB7] =	sst s0;
	s0 =	simm.s32 @!p1 $0x0  }
0x14: {  	s2 =	sld [smem:$0x3F9B];
	s0 =	simm.s32 @p1 $0x1  }
0x15: {  	[smem:$0x3FB8] =	sst s0;
	s0 =	simm.s32 @!p2 $0x0  }
0x16: {  	s3 =	sld [smem:$0x3FDB];
	s0 =	simm.s32 @p2 $0x1  }
0x17: {  	s4 =	simm.s32 $0x1BF5;
	[smem:$0x3FBA] =	sst s0  }
0x18: {  	s0 =	sld [smem:$0x3F9D];
	_ =	swait.ge [sflag:s4], $0x0  }
0x19: {  	s7 =	sld [smem:$0x3F9E]  }
0x1a: {  	s8 =	sadd.s32 $0xFFFFE003, lr  }
0x1b: {  	s9 =	sadd.s32 $0xFFFFFEF7, lr;
	s5 =	simm.s32 $0xFFFFFFFF;
	p2 =	slt.u32 s8, $0xFFFFF086  }
0x1c: {  	p1 =	slt.u32 s9, $0xF7A;
	s5 =	simm.s32 @!p2 $0x0  }
0x1d: {  	s5 =	simm.s32 @p1 $0x1;
	p0 =	seq.s32 s7, s2  }
0x1e: {  	s7 =	smul.u32 @!p0 $0xF7A, s2;
	p2 =	seq.s32 @!p0 s5, $0x0  }
0x1f: {  	s9 =	smul.u32 $0xF7A, s1;
	s8 =	simm.s32 @!p0 $0x1BF5;
	p2 =	por !p2, p0  }
0x20: {  	[sflag:s8] =	ssyncset.s32 @!p0 $0xFFFFF086;
	s6 =	sadd.s32 @!p0 s3, s7;
	s7 =	simm.s32 @!p0 $0x108  }
0x21: {  	s3 =	sadd.s32 s3, s9;
	s6 =	sadd.s32 @!p0 $0x88, s6;
	s7 =	simm.s32 @p2 $0x1082  }
0x22: {  	[simem:s7], [sflag:s8] =	dma.local @!p0 [hbm:s6], $0xF7A  }
0x23: {  	s9 =	sor.u32 $0xD0000000, s2;
	s6 =	simm.s32 $0x108;
	_ =	swait.ge @!p0 [sflag:s8], $0x0  }
0x24: {  	s3 =	sadd.s32 $0x88, s3;
	s6 =	simm.s32 @!p1 $0x1082;
	[sflag:s4] =	ssyncset.s32 $0xFFFFF086  }
0x25: {  	[simem:s6], [sflag:s4] =	dma.local [hbm:s3], $0xF7A  }
0x26: {  	[smem:$0x3F9E] =	sst s1;
	(tag) =	ssettag s2;
	_ =	strace s9  }
0x27: {  	s1 =	sld [smem:$0x3FAE]  }
0x28: {  	s2 =	sld [smem:$0x3FAF]  }
0x29: {  	s4 =	sld [smem:$0x3FB1]  }
0x2a: {  	p0 =	seq.s32 s5, $0x0;
	s5 =	sld [smem:$0x3FB2]  }
0x2b: {  	s6 =	sld [smem:$0x3FB3]  }
0x2c: {  	s7 =	sld [smem:$0x3FB4]  }
0x2d: {  	s3 =	simm.s32 $0x108;
	s8 =	sld [smem:$0x3FB5]  }
0x2e: {  	s3 =	simm.s32 @!p0 $0x1082;
	s9 =	sld [smem:$0x3FB6]  }
0x2f: {  	lr =	sadd.s32 s0, s3;
	s0 =	sld [smem:$0x3FAD]  }
0x30: {  	s3 =	sld [smem:$0x3FB0]  }
0x31: {  	[smem:$0x3FB9] =	sst s10  }
0x32: {  	s10 =	sld [smem:$0x3FB7];
	_ =	sdelay $0x3  }
0x33: {  	p0 =	seq.s32 s10, $0x1;
	s10 =	sld [smem:$0x3FB9];
	_ =	sdelay $0x3  }
0x34: {  	[smem:$0x3FB9] =	sst s10  }
0x35: {  	s10 =	sld [smem:$0x3FB8];
	_ =	sdelay $0x3  }
0x36: {  	p1 =	seq.s32 s10, $0x1;
	s10 =	sld [smem:$0x3FB9];
	_ =	sdelay $0x3  }
0x37: {  	[smem:$0x3FB9] =	sst s10  }
0x38: {  	s10 =	sld [smem:$0x3FBA]  }
0x39: {  	_ = 	snop;
	(pc) =	sbr.ind lr, $3  }
0x3a: {  	_ = 	snop  }
0x3b: {  	_ = 	snop  }
0x3c: {  	p2 =	seq.s32 s10, $0x1;
	s10 =	sld [smem:$0x3FB9]  }
0x3d: {  	_ =	shalt  }
0x3e: {  	_ =	shalt  }
0x3f: {  	_ =	shalt  }
0x40: {  	_ =	shalt  }
0x41: {  	_ =	shalt  }
0x42: {  	_ =	shalt  }
0x43: {  	_ =	shalt  }
0x44: {  	_ =	shalt  }
0x45: {  	_ =	shalt  }
0x46: {  	_ =	shalt  }
0x47: {  	_ =	shalt  }
0x48: {  	_ =	shalt  }
0x49: {  	_ =	shalt  }
0x4a: {  	_ =	shalt  }
0x4b: {  	_ =	shalt  }
0x4c: {  	_ =	shalt  }
0x4d: {  	_ =	shalt  }
0x4e: {  	_ =	shalt  }
0x4f: {  	_ =	shalt  }
0x50: {  	_ =	shalt  }
0x51: {  	_ =	shalt  }
0x52: {  	_ =	shalt  }
0x53: {  	_ =	shalt  }
0x54: {  	_ =	shalt  }
0x55: {  	_ =	shalt  }
0x56: {  	_ =	shalt  }
0x57: {  	_ =	shalt  }
0x58: {  	_ =	shalt  }
0x59: {  	_ =	shalt  }
0x5a: {  	_ =	shalt  }
0x5b: {  	_ =	shalt  }
0x5c: {  	_ =	shalt  }
0x5d: {  	_ =	shalt  }
0x5e: {  	_ =	shalt  }
0x5f: {  	_ =	shalt  }
0x60: {  	_ =	shalt  }
0x61: {  	_ =	shalt  }
0x62: {  	_ =	shalt  }
0x63: {  	_ =	shalt  }
0x64: {  	_ =	shalt  }
0x65: {  	_ =	shalt  }
0x66: {  	_ =	shalt  }
0x67: {  	_ =	shalt  }
0x68: {  	_ =	shalt  }
0x69: {  	_ =	shalt  }
0x6a: {  	_ =	shalt  }
0x6b: {  	_ =	shalt  }
0x6c: {  	_ =	shalt  }
0x6d: {  	_ =	shalt  }
0x6e: {  	_ =	shalt  }
0x6f: {  	_ =	shalt  }
0x70: {  	_ =	shalt  }
0x71: {  	_ =	shalt  }
0x72: {  	_ =	shalt  }
0x73: {  	_ =	shalt  }
0x74: {  	_ =	shalt  }
0x75: {  	_ =	shalt  }
0x76: {  	_ =	shalt  }
0x77: {  	_ =	shalt  }
0x78: {  	_ =	shalt  }
0x79: {  	_ =	shalt  }
0x7a: {  	_ =	shalt  }
0x7b: {  	_ =	shalt  }
0x7c: {  	_ =	shalt  }
0x7d: {  	_ =	shalt  }
0x7e: {  	_ =	shalt  }
0x7f: {  	_ =	shalt  }
0x80: {  	_ =	shalt  }
0x81: {  	_ =	shalt  }
0x82: {  	_ =	shalt  }
0x83: {  	_ =	shalt  }
0x84: {  	_ =	shalt  }
0x85: {  	_ =	shalt  }
0x86: {  	_ =	shalt  }
0x87: {  	_ =	shalt  }
.Lfunc_end0:
.L_simem_size_0:
called_computation_lowered:
.L_overlay_start_0:
0x88: {  	s2 =	sld [smem:$0x3FD9]  }
0x89: {  	s3 =	sld [smem:$0x3FFE];
	_ =	sdelay $0x1  }
0x8a: {  	s1 =	srdreg.scid  }
0x8b: {  	s0 =	sand.u32 $0x1, s1  }
0x8c: {  	s17 =	sshll.u32 s0, $0xA;
	s2 =	sadd.s32 s3, s2  }
0x8d: {  	s2 =	sadd.s32 s2, s17  }
0x8e: {  	[smem:$0x3FC5] =	sst s2  }
0x8f: {  	_ = 	snop  }
0x90: {  	s2 =	sld [smem:$0x3FC8]  }
0x91: {  	s18 =	sld [smem:$0x3FC7]  }
0x92: {  	s4 =	sld [smem:$0x3FD0];
	(tm) =	ssettm $0x1  }
0x93: {  	s5 =	sld [smem:$0x3FFB];
	_ =	sdelay $0x3  }
0x94: {  	_ =	strace s5  }
0x95: {  	s5 =	sld [smem:$0x3FFC];
	_ =	sdelay $0x3  }
0x96: {  	_ =	strace s5  }
0x97: {  	s5 =	sld [smem:$0x3FFD];
	_ =	sdelay $0x3  }
0x98: {  	_ =	strace s5  }
0x99: {  	_ =	strace $0x8FFFFFFF  }
0x9a: {  	s19 =	sld [smem:$0x3FDB];
	_ =	sdelay $0x1  }
0x9b: {  	s6 =	simm.s32 $_scs_section_size  }
0x9c: {  	s7 =	simm.s32 $_size__tile_overlayer_lowered;
	s8 =	simm.s32 $_tile_overlayer_lowered  }
0x9d: {  	s22 =	simm.s32 $0x1BFF;
	s21 =	sshll.u32 s8, $0x1;
	s5 =	sadd.s32 s6, s19  }
0x9e: {  	s9 =	simm.s32 $0x0;
	s20 =	sshll.u32 s7, $0x1;
	s7 =	sadd.s32 s21, s5  }
0x9f: {  	[timem:s9], [sflag:s22] =	dma.local [hbm:s7], s20  }
0xa0: {  	_ =	swait.ge [sflag:s22], s20  }
0xa1: {  	s6 =	ssub.s32 $0x0, s20;
	[sflag:s22] =	ssyncset.done $0x0  }
0xa2: {  	[sflag:s22] =	ssyncadd.s32 s6;
	_ =	sdelay $0x1  }
0xa3: {  	s23 =	simm.s32 $0x1B8B  }
0xa4: {  	_ =	swait.ge [sflag:s23], $0x1  }
0xa5: {  	[sflag:s23] =	ssyncset.done $0x0  }
0xa6: {  	s25 =	simm.s32 $0x1B8E;
	s24 =	sld [smem:$0x3FFE];
	[sflag:s23] =	ssyncadd.s32 $0xFFFFFFFF  }
0xa7: {  	s26 =	simm.s32 $execute0_lowered;
	[smem:$0x3FD2] =	sst s25  }
0xa8: {  	s7 =	sshll.u32 s26, $0x1;
	_ =	strace $0x80000046;
	[dreg:$0x1] =	wrdreg $0xFFFFFFFF  }
0xa9: {  	s28 =	simm.s32 $_size_execute0_lowered;
	s5 =	sadd.s32 s5, s7;
	[dreg:$0x0] =	wrdreg $0x0  }
0xaa: {  	s7 =	sshll.u32 s28, $0x1;
	[dreg:$0x2] =	wrdreg s5  }
0xab: {  	[dreg:$0x3] =	wrdreg s7  }
0xac: {  	[dreg:$0x4] =	wrdreg $0xC0  }
0xad: {  	_ =	task [dreg:s9], $0x5FFFF  }
0xae: {  	[dreg:$0x1] =	wrdreg $0xFFFFFFFF  }
0xaf: {  	[dreg:$0x0] =	wrdreg $0x60  }
0xb0: {  	[dreg:$0x2] =	wrdreg s4  }
0xb1: {  	[dreg:$0x3] =	wrdreg s2  }
0xb2: {  	[dreg:$0x4] =	wrdreg s18  }
0xb3: {  	[dreg:$0x5] =	wrdreg s24  }
0xb4: {  	[dreg:$0x6] =	wrdreg $0x9  }
0xb5: {  	_ =	task.clear_ibuf [dreg:s9], $0x7FFFF;
	_ =	strace $0x90000046  }
0xb6: {  	s29 =	simm.s32 $0x9;
	_ =	strace $0x80000048  }
0xb7: {  	_ =	swait.ge [sflag:s29], $0x1  }
0xb8: {  	[sflag:s29] =	ssyncadd.s32 $0xFFFFFFFF  }
0xb9: {  	_ =	strace $0x90000048  }
0xba: {  	_ =	sfence  }
0xbb: {  	s30 =	sld [smem:$0x0];
	_ =	sdelay $0x2  }
0xbc: {  	s31 =	sshll.u32 s1, $0xD;
	s1 =	sshrl.u32 s1, $0x2  }
0xbd: {  	s3 =	sand.u32 $0x4000, s31;
	s1 =	sadd.s32 s1, s30  }
0xbe: {  	s0 =	sor.u32 s3, s0;
	s1 =	sshll.u32 s1, $0x11  }
0xbf: {  	s0 =	sor.u32 s1, s0  }
0xc0: {  	s0 =	sadd.s32 $0x8F2B, s0  }
0xc1: {  	[sflag:s0] =	ssyncadd.remote.s32 $0x1  }
0xc2: {  	_ =	sfence.sel $0xFFFF  }
0xc3: {  	[dreg:$0x0] =	wrdreg $0xFFFFFFFF;
	(pc) =	sbr.abs _section_cstart, $3  }
0xc4: {  	[dreg:$0x1] =	wrdreg $0xFFFFFFFF  }
0xc5: {  	_ =	task.clear_ibuf [dreg:s9], $0x2FFFF;
	_ =	strace $0x9FFFFFFF  }
0xc6: {  	(tm) =	ssettm $0x7FFFFFFF  }
0xc7: {  	_ =	shalt  }
tec
execute0_lowered:
.L_overlay_start_1:
0x0: {  	(tag) =	ssettag $0x1  }
0x1: {  	s0 =	srdreg.scid;
	s8 =	rddreg [dreg:$0x1]  }
0x2: {  	s6 =	stileid.u32;
	s9 =	rddreg [dreg:$0x2]  }
0x3: {  	s0 =	sand.u32 $0x1, s0;
	s1 =	sshll.u32 s6, $0x1;
	s29 =	smul.u32 $0x30D40, s6  }
0x4: {  	s1 =	sor.u32 s0, s1;
	s26 =	ssub.s32 $0x2, s0;
	s0 =	smul.u32 $0x186A0, s0  }
0x5: {  	s4 =	rddreg [dreg:$0x3];
	s5 =	simm.s32 $0x0;
	s7 =	smul.u32 $0x186A0, s1  }
0x6: {  	s2 =	sshrl.u32 s6, $0x2;
	[smem:$0x7FF] =	sst s5  }
0x7: {  	_ =	strace $0x80000047;
	s0 =	sadd.s32 s0, s29;
	[dreg:$0x5] =	wrdreg s7  }
0x8: {  	s28 =	sshrl.u32 s7, $0x2;
	s6 =	sadd.s32 $0x7D0, s7;
	[dreg:$0x9] =	wrdreg s0  }
0x9: {  	s31 =	sshrl.u32 s7, $0x3;
	s7 =	sadd.s32 $0xFA0, s7;
	[dreg:$0x8] =	wrdreg s6  }
0xa: {  	s10 =	sadd.s32 $0x60, s0;
	[dreg:$0xa] =	wrdreg s7  }
0xb: {  	s11 =	sor.u32 $0x10, s0;
	[dreg:$0x10] =	wrdreg s10  }
0xc: {  	s12 =	sadd.s32 $0x50, s0;
	[dreg:$0x11] =	wrdreg s11  }
0xd: {  	s15 =	sadd.s32 $0x40, s0;
	[dreg:$0x12] =	wrdreg s12  }
0xe: {  	s16 =	sadd.s32 $0x20, s0;
	[dreg:$0x16] =	wrdreg s15  }
0xf: {  	s17 =	sadd.s32 $0x30, s0;
	[dreg:$0x17] =	wrdreg s16  }
0x10: {  	s20 =	sadd.s32 $0x780, s0;
	[dreg:$0x18] =	wrdreg s17  }
0x11: {  	s22 =	sadd.s32 $0x7D0, s0;
	[dreg:$0x1c] =	wrdreg s20  }
0x12: {  	s21 =	sadd.s32 $0x840, s0;
	[dreg:$0x1e] =	wrdreg s22  }
0x13: {  	s23 =	sadd.s32 $0x830, s0;
	[dreg:$0x1d] =	wrdreg s21  }
0x14: {  	s24 =	sadd.s32 $0x7E0, s0;
	[smem:$0x7F1] =	sst s23  }
0x15: {  	s2 =	smul.u32 $0x62000, s2;
	s29 =	sadd.s32 $0x7F0, s0;
	[smem:$0x7F3] =	sst s24  }
0x16: {  	s3 =	sshll.u32 s1, $0x7;
	s13 =	sshrl.u32 s11, $0x4;
	[smem:$0x7F9] =	sst s29  }
0x17: {  	s30 =	sshrl.u32 s26, $0x1;
	s14 =	sshrl.u32 s12, $0x4;
	[dreg:$0x14] =	wrdreg s13  }
0x18: {  	s3 =	sand.u32 $0x380, s3;
	s18 =	sshrl.u32 s16, $0x5;
	[dreg:$0x15] =	wrdreg s14  }
0x19: {  	s2 =	sor.u32 s2, s3;
	s19 =	sshrl.u32 s17, $0x4;
	[dreg:$0x1a] =	wrdreg s18  }
0x1a: {  	s3 =	sand.u32 $0xFFFE0, s28;
	s28 =	sadd.s32 $0x810, s0;
	[dreg:$0x1b] =	wrdreg s19  }
0x1b: {  	s2 =	sshrl.u32 s2, $0x3;
	s3 =	sadd.s32 s8, s3;
	[smem:$0x7F7] =	sst s28  }
0x1c: {  	s25 =	sadd.s32 s2, s4;
	s8 =	sadd.s32 $0x70, s0;
	[dreg:$0x6] =	wrdreg s3  }
0x1d: {  	s2 =	ssub.s32 s26, s30;
	s30 =	sadd.s32 $0x800, s0;
	[dreg:$0xc] =	wrdreg s8  }
0x1e: {  	s3 =	sadd.s32 s9, s31;
	[smem:$0x7FB] =	sst s30  }
0x1f: {  	s1 =	sadd.s32 $0x200, s25;
	[dreg:$0x7] =	wrdreg s3  }
0x20: {  	s2 =	smax.u32 s2, $0x1;
	[dreg:$0xb] =	wrdreg s1  }
0x21: {  	s9 =	sshrl.u32 s0, $0x5;
	[dreg:$0xd] =	wrdreg s2  }
0x22: {  	s25 =	sadd.s32 $0x820, s0;
	[dreg:$0xe] =	wrdreg s9  }
0x23: {  	s31 =	sshrl.u32 s30, $0x5;
	[smem:$0x7F5] =	sst s25  }
0x24: {  	s0 =	sadd.s32 $0xF50, s0;
	[smem:$0x7FC] =	sst s31  }
0x25: {  	s1 =	sshrl.u32 s8, $0x4;
	[smem:$0x7FD] =	sst s0  }
0x26: {  	s2 =	sshrl.u32 s22, $0x4;
	[dreg:$0xf] =	wrdreg s1  }
0x27: {  	s26 =	sshrl.u32 s25, $0x5;
	[dreg:$0x1f] =	wrdreg s2  }
0x28: {  	s1 =	sshrl.u32 s10, $0x5;
	[smem:$0x7F6] =	sst s26  }
0x29: {  	[dreg:$0x13] =	wrdreg s1;
	s1 =	sshrl.u32 s15, $0x5  }
0x2a: {  	[dreg:$0x19] =	wrdreg s1;
	s1 =	sshrl.u32 s21, $0x5  }
0x2b: {  	[smem:$0x7F0] =	sst s1;
	s1 =	sshrl.u32 s23, $0x4  }
0x2c: {  	[smem:$0x7F2] =	sst s1;
	s1 =	sshrl.u32 s24, $0x5  }
0x2d: {  	[smem:$0x7F4] =	sst s1;
	s1 =	sshrl.u32 s28, $0x4  }
0x2e: {  	[smem:$0x7F8] =	sst s1;
	s1 =	sshrl.u32 s29, $0x4  }
0x2f: {  	v0 =	vimm.f32 $0.0e+00;
	s17 =	simm.s32 $0xC380;
	s2 =	simm.s32 $0x0;
	[smem:$0x7FA] =	sst s1  }
.LBB2_1:
0x30: {  	s0 =	rddreg [dreg:$0x0]  }
0x31: {  	[tilespmem:s5], [sflag:$0x1] =	stream.linear.gather [hbm4b:s0+s5], $0xC380, $0x38;
	[tilespmem:$0x1B980] =	vst v63  }
0x32: {  	s0 =	simm.s32 $0xC3C0  }
0x33: {  	[tilespmem:s0+$0xFFFFFFC0] =	vst v0  }
0x34: {  	[tilespmem:s0+$0x30] =	vst v0  }
0x35: {  	[tilespmem:s0+$0x20] =	vst v0  }
0x36: {  	[tilespmem:s0+$0x10] =	vst v0  }
0x37: {  	[tilespmem:s0+$0x0] =	vst v0  }
0x38: {  	[tilespmem:s0+$0xFFFFFFF0] =	vst v0  }
0x39: {  	s1 =	simm.s32 $0x0;
	[tilespmem:s0+$0xFFFFFFE0] =	vst v0  }
.LBB2_2:
0x3a: {  	s1 =	sadd.s32 $0x8, s1;
	[tilespmem:s0+$0xFFFFFFD0] =	vst v0;
	s0 =	sadd.s32 $0x80, s0  }
0x3b: {  	[tilespmem:s0+$0xFFFFFFC0] =	vst v0;
	p0 =	slt.u32 s1, $0xC38  }
0x3c: {  	[tilespmem:s0+$0x30] =	vst v0  }
.Ltmp0:
0x3d: {  	[tilespmem:s0+$0x20] =	vst v0;
	(pc) =	sbr.rel @p0 .LBB2_2-.Ltmp0, $4  }
0x3e: {  	[tilespmem:s0+$0x10] =	vst v0  }
0x3f: {  	[tilespmem:s0+$0x0] =	vst v0  }
0x40: {  	[tilespmem:s0+$0xFFFFFFF0] =	vst v0  }
0x41: {  	[tilespmem:s0+$0xFFFFFFE0] =	vst v0  }
0x42: {  	[smem:$0x7EA] =	sst s2;
	[tilespmem:s0+$0xFFFFFFD0] =	vst v0;
	s20 =	simm.s32 $0x1  }
0x43: {  	_ =	swait.ge [sflag:s20], $0xC380  }
0x44: {  	s22 =	rddreg [dreg:$0x6]  }
0x45: {  	s23 =	rddreg [dreg:$0x7]  }
0x46: {  	s25 =	sld [smem:$0x7FC]  }
0x47: {  	s26 =	sld [smem:$0x7FB]  }
0x48: {  	s8 =	sld [smem:$0x7FA]  }
0x49: {  	s9 =	sld [smem:$0x7F9]  }
0x4a: {  	s19 =	sld [smem:$0x7F8]  }
0x4b: {  	s30 =	sld [smem:$0x7F7]  }
0x4c: {  	s29 =	sld [smem:$0x7F6]  }
0x4d: {  	s31 =	sld [smem:$0x7F2]  }
0x4e: {  	s0 =	sld [smem:$0x7F0]  }
0x4f: {  	s2 =	rddreg [dreg:$0x1e]  }
0x50: {  	s18 =	rddreg [dreg:$0x1d]  }
0x51: {  	s3 =	rddreg [dreg:$0x1b]  }
0x52: {  	s7 =	rddreg [dreg:$0x1a]  }
0x53: {  	s4 =	rddreg [dreg:$0x17]  }
0x54: {  	s13 =	rddreg [dreg:$0x16]  }
0x55: {  	s5 =	rddreg [dreg:$0x15]  }
0x56: {  	s16 =	rddreg [dreg:$0x12]  }
0x57: {  	s14 =	rddreg [dreg:$0x11]  }
0x58: {  	s6 =	rddreg [dreg:$0x13]  }
0x59: {  	s28 =	rddreg [dreg:$0x10]  }
0x5a: {  	s10 =	rddreg [dreg:$0xf]  }
0x5b: {  	s11 =	rddreg [dreg:$0xe]  }
0x5c: {  	s15 =	rddreg [dreg:$0xc]  }
0x5d: {  	[smem:$0x7ED] =	sst s3  }
0x5e: {  	s3 =	rddreg [dreg:$0x18]  }
0x5f: {  	[smem:$0x7EE] =	sst s4  }
0x60: {  	[sflag:s20] =	ssyncset.done $0x0;
	s4 =	rddreg [dreg:$0x19]  }
0x61: {  	[sflag:s20] =	ssyncadd.s32 $0xFFFF3C80;
	s20 =	rddreg [dreg:$0x14]  }
0x62: {  	[smem:$0x7EF] =	sst s6  }
0x63: {  	s21 =	simm.s32 $0x0;
	s1 =	simm.s32 $0x18780;
	s6 =	rddreg [dreg:$0x9]  }
0x64: {  	[tilespmem:s1], [sflag:$0x2] =	stream.linear.gather [hbm4b:s22+s21], $0x1100, $0x38;
	[tilespmem:$0x1B980] =	vst v63  }
0x65: {  	s22 =	sld [smem:$0x7F3]  }
0x66: {  	s1 =	rddreg [dreg:$0x1f]  }
0x67: {  	[smem:$0x7EB] =	sst s25  }
0x68: {  	[smem:$0x7EC] =	sst s26  }
0x69: {  	s26 =	sld [smem:$0x7F5]  }
0x6a: {  	s24 =	simm.s32 $0x1A980;
	s25 =	sld [smem:$0x7F1]  }
0x6b: {  	[tilespmem:s24], [sflag:$0x2] =	stream.linear.gather [hbm4b:s23+s21], $0x7D0, $0x38;
	[tilespmem:$0x1B980] =	vst v63  }
0x6c: {  	s21 =	sld [smem:$0x7FD]  }
0x6d: {  	s24 =	sld [smem:$0x7F4]  }
0x6e: {  	s12 =	simm.s32 $0x0;
	s23 =	rddreg [dreg:$0x1c]  }
.LBB2_4:
0x6f: {  	[smem:$0x7E4] =	sst s26  }
0x70: {  	[smem:$0x7E5] =	sst s29  }
0x71: {  	[smem:$0x7E6] =	sst s30  }
0x72: {  	[smem:$0x7E7] =	sst s19  }
0x73: {  	[smem:$0x7E8] =	sst s9  }
0x74: {  	[smem:$0x7E9] =	sst s8  }
0x75: {  	[smem:$0x7CB] =	sst s23  }
0x76: {  	[smem:$0x7CC] =	sst s21  }
0x77: {  	[smem:$0x7CD] =	sst s11  }
0x78: {  	[smem:$0x7CE] =	sst s15  }
0x79: {  	[smem:$0x7CF] =	sst s10  }
0x7a: {  	[smem:$0x7D0] =	sst s6  }
0x7b: {  	[smem:$0x7D1] =	sst s12  }
0x7c: {  	[smem:$0x7D2] =	sst s28  }
0x7d: {  	[smem:$0x7D3] =	sst s14  }
0x7e: {  	s30 =	smov.u32 s22;
	s26 =	smov.u32 s25;
	[smem:$0x7D4] =	sst s20  }
0x7f: {  	s25 =	smov.u32 s0;
	s15 =	sshll.u32 s15, $0x3;
	[smem:$0x7D5] =	sst s16  }
0x80: {  	s19 =	smov.u32 s1;
	s21 =	sand.u32 $0x7, s10;
	[smem:$0x7D6] =	sst s5  }
0x81: {  	s8 =	smov.u32 s3;
	s22 =	sshll.u32 s6, $0x3;
	[smem:$0x7D7] =	sst s13  }
0x82: {  	s23 =	sshll.u32 s28, $0x3;
	s6 =	smov.u32 s7;
	[smem:$0x7D8] =	sst s4  }
0x83: {  	s9 =	smov.u32 s2;
	[smem:$0x7E3] =	sst s24;
	s0 =	sand.u32 $0xFFFFFC00, s15  }
0x84: {  	s1 =	sshll.u32 s21, $0x6;
	s24 =	smov.u32 s18;
	s18 =	rddreg [dreg:$0x8]  }
0x85: {  	[smem:$0x7D9] =	sst s6;
	s29 =	sor.u32 s1, s0;
	s0 =	sand.u32 $0xFFFFFC00, s22  }
0x86: {  	s22 =	smul.u32 $0xFA0, s12;
	s12 =	sshll.u32 s14, $0x3;
	s14 =	sld [smem:$0x7EF]  }
0x87: {  	s5 =	sand.u32 $0x7, s5;
	s15 =	sand.u32 $0x7, s20;
	s1 =	sld [smem:$0x7EE]  }
0x88: {  	s10 =	sshll.u32 s15, $0x6;
	s15 =	simm.s32 $0x0;
	s7 =	sand.u32 $0xFFFFFC00, s12  }
0x89: {  	s12 =	sadd.s32 s22, s18;
	s18 =	sand.u32 $0xFFFFFC00, s23;
	s20 =	sor.u32 s10, s7  }
0x8a: {  	s23 =	sshll.u32 s16, $0x3;
	s21 =	sshrl.u32 s12, $0x7;
	[smem:$0x7EF] =	sst s14  }
0x8b: {  	s10 =	sand.u32 $0x3, s14;
	s3 =	sor.u32 $0x200, s20;
	s20 =	smin.u32 s21, $0x6197  }
0x8c: {  	s16 =	sand.u32 $0xFFFFFC00, s23;
	s21 =	rddreg [dreg:$0x1];
	s2 =	sshll.u32 s20, $0x5  }
0x8d: {  	s23 =	simm.s32 $0x19880;
	s12 =	sshrl.u32 s12, $0x3;
	s14 =	sadd.s32 s21, s2  }
0x8e: {  	[tilespmem:s23], [sflag:$0x3] =	stream.linear.gather [hbm4b:s14+s15], $0x1100, $0x38;
	[tilespmem:$0x1B980] =	vst v63  }
0x8f: {  	[smem:$0x7EE] =	sst s1;
	s7 =	ssub.s32 s3, s0;
	s14 =	sshll.u32 s5, $0x6  }
0x90: {  	s5 =	sshll.u32 s13, $0x3;
	s13 =	rddreg [dreg:$0x2];
	s23 =	simm.s32 $0x1B180  }
0x91: {  	s3 =	sand.u32 $0xFFFFFC00, s5;
	s12 =	sadd.s32 s13, s12;
	s5 =	simm.s32 $0x2  }
0x92: {  	[tilespmem:s23], [sflag:$0x3] =	stream.linear.gather [hbm4b:s12+s15], $0x7D0, $0x38;
	[tilespmem:$0x1B980] =	vst v63  }
0x93: {  	_ =	swait.ge [sflag:s5], $0x1100  }
0x94: {  	s11 =	sand.u32 $0x3, s11;
	[sflag:s5] =	ssyncset.done $0x0  }
0x95: {  	s11 =	sshll.u32 s11, $0x7;
	[smem:$0x7DA] =	sst s8;
	[sflag:s5] =	ssyncadd.s32 $0xFFFFEF00  }
0x96: {  	s21 =	sand.u32 $0x3, s4;
	s2 =	sshll.u32 s1, $0x3;
	_ =	swait.ge [sflag:s5], $0x7D0  }
0x97: {  	s4 =	sand.u32 $0x3, s6;
	s6 =	sshll.u32 s8, $0x3;
	s28 =	sld [smem:$0x7ED]  }
0x98: {  	s21 =	sshll.u32 s21, $0x7;
	s12 =	sand.u32 $0xFFFFFC00, s2;
	s23 =	sshll.u32 s4, $0x7  }
0x99: {  	s2 =	sshra.s32 s11, $0x2;
	s12 =	sor.u32 s23, s12;
	[sflag:s5] =	ssyncset.done $0x0  }
0x9a: {  	s12 =	sor.u32 $0x200, s12;
	[sflag:s5] =	ssyncadd.s32 $0xFFFFF830;
	[smem:$0x7ED] =	sst s28  }
0x9b: {  	s4 =	sshra.s32 s7, $0x2;
	s21 =	sor.u32 s21, s3;
	s12 =	ssub.s32 s12, s0;
	v3 =	vld [tilespmem:s2+$0x18780]  }
0x9c: {  	s23 =	sand.u32 $0xFFFFFC00, s6;
	s21 =	ssub.s32 s21, s0;
	s6 =	sshra.s32 s12, $0x2;
	v4 =	vld [tilespmem:s4+$0x18700]  }
0x9d: {  	s8 =	sshra.s32 s21, $0x2;
	v5 =	vld [tilespmem:s6+$0x18700]  }
0x9e: {  	v7 =	vld [tilespmem:s8+$0x18780]  }
0x9f: {  	s28 =	sand.u32 $0x7, s28;
	v9 =	vld [tilespmem:s2+$0x18800]  }
0xa0: {  	s28 =	sshll.u32 s28, $0x6;
	v10 =	vld [tilespmem:s4+$0x18780]  }
0xa1: {  	s10 =	sshll.u32 s10, $0x7;
	v11 =	vld [tilespmem:s6+$0x18780];
	s23 =	sor.u32 s28, s23;
	s28 =	ssub.s32 s29, s0  }
0xa2: {  	s13 =	sor.u32 s10, s18;
	v13 =	vld [tilespmem:s8+$0x18800];
	s18 =	sshra.s32 s28, $0x2  }
0xa3: {  	s14 =	sor.u32 s14, s16;
	s3 =	ssub.s32 s23, s0;
	v2 =	vld [tilespmem:s18+$0x18800]  }
0xa4: {  	s23 =	ssub.s32 s14, s0;
	s16 =	sshra.s32 s3, $0x2;
	v16 =	vld [tilespmem:s18+$0x18780]  }
0xa5: {  	s15 =	sshra.s32 s23, $0x2;
	v6 =	vld [tilespmem:s16+$0x18780]  }
0xa6: {  	s0 =	ssub.s32 s13, s0;
	v8 =	vld [tilespmem:s15+$0x18780]  }
0xa7: {  	s5 =	sshra.s32 s0, $0x2;
	v12 =	vld [tilespmem:s16+$0x18800]  }
0xa8: {  	v1 =	vld [tilespmem:s5+$0x18780]  }
0xa9: {  	v14 =	vld [tilespmem:s15+$0x18800]  }
0xaa: {  	s8 =	simm.s32 $0x0;
	v15 =	vld [tilespmem:s5+$0x18800]  }
0xab: {  	v2 =	vld.idx.msk [tilespmem:v2+s8+$0x0], $0xffff  }
0xac: {  	v9 =	vld.idx.msk [tilespmem:v9+s8+$0x0], $0xffff  }
0xad: {  	v10 =	vld.idx.msk [tilespmem:v10+s8+$0x0], $0xffff;
	[smem:$0x7DB] =	sst s9  }
0xae: {  	v11 =	vld.idx.msk [tilespmem:v11+s8+$0x0], $0xffff  }
0xaf: {  	s10 =	simm.s32 $0x1A9C0;
	s14 =	sshrl.u32 s9, $0x7;
	s16 =	sand.u32 $0x7, s19;
	v12 =	vld.idx.msk [tilespmem:v12+s8+$0x0], $0xffff  }
0xb0: {  	s1 =	sshll.u32 s14, $0xA;
	s4 =	sshll.u32 s16, $0x6;
	vm0 =	vgt.f32 v2, $0.0e+00;
	v2 =	vld [tilespmem:s10+$0x30];
	[smem:$0x7DC] =	sst s19  }
0xb1: {  	s1 =	sor.u32 s4, s1;
	v13 =	vld.idx.msk [tilespmem:v13+s8+$0x0], $0xffff  }
0xb2: {  	v14 =	vld.idx.msk [tilespmem:v14+s8+$0x0], $0xffff;
	[smem:$0x7DD] =	sst s1  }
0xb3: {  	s15 =	smin.u32 s14, $0x6197;
	v15 =	vld.idx.msk [tilespmem:v15+s8+$0x0], $0xffff;
	[smem:$0x7DE] =	sst s24  }
0xb4: {  	s2 =	sshll.u32 s15, $0xA;
	[smem:$0x7DF] =	sst s25  }
0xb5: {  	s2 =	ssub.s32 $0x0, s2;
	[smem:$0x7E0] =	sst s26  }
0xb6: {  	s18 =	sshll.u32 s24, $0x3;
	s2 =	sshra.s32 s2, $0x2;
	[tilespmem:v16+s17+$0x0] =	vst.idx.add.f32.msk vm0, v2  }
0xb7: {  	s14 =	sadd.s32 $0x19880, s2;
	s19 =	smov.u32 s22;
	v58 =	vld [tilespmem:s10+$0xFFFFFFC0];
	[smem:$0x7E1] =	sst s31  }
0xb8: {  	s22 =	sand.u32 $0x3, s25;
	s1 =	sand.u32 $0xFFFFFC00, s18;
	[smem:$0x7E2] =	sst s30  }
0xb9: {  	s2 =	sshll.u32 s22, $0x7;
	s24 =	sshll.u32 s26, $0x3;
	vm0 =	vgt.f32 v9, $0.0e+00;
	s8 =	sld [smem:$0x7E3]  }
0xba: {  	vm1 =	vgt.f32 v10, $0.0e+00;
	s25 =	sand.u32 $0x7, s31;
	s4 =	sand.u32 $0xFFFFFC00, s24;
	s24 =	sld [smem:$0x7E6]  }
0xbb: {  	s26 =	sshll.u32 s30, $0x3;
	s6 =	sshll.u32 s25, $0x6;
	s18 =	sld [smem:$0x7E5];
	v59 =	vld [tilespmem:s10+$0xFFFFFFD0]  }
0xbc: {  	s13 =	sand.u32 $0xFFFFFC00, s26;
	s22 =	sor.u32 s6, s4;
	s5 =	sld [smem:$0x7E8]  }
0xbd: {  	s6 =	sld [smem:$0x7E9];
	s9 =	sand.u32 $0x3, s8;
	s4 =	sshll.u32 s24, $0x3  }
0xbe: {  	v60 =	vld [tilespmem:s10+$0xFFFFFFE0];
	s16 =	sshll.u32 s9, $0x7;
	s26 =	sand.u32 $0xFFFFFC00, s4;
	s4 =	sld [smem:$0x7E7]  }
0xbf: {  	s15 =	sor.u32 s16, s13;
	s16 =	sld [smem:$0x7E4];
	[tilespmem:v3+s17+$0x0] =	vst.idx.add.f32.msk vm0, v58  }
0xc0: {  	vm2 =	vgt.f32 v11, $0.0e+00;
	s25 =	sor.u32 s2, s1;
	[tilespmem:v4+s17+$0x0] =	vst.idx.add.f32.msk vm1, v59  }
0xc1: {  	v61 =	vld [tilespmem:s10+$0xFFFFFFF0];
	s2 =	sand.u32 $0x3, s18;
	s29 =	sor.u32 $0x200, s15;
	s15 =	sld [smem:$0x7EC]  }
0xc2: {  	vm3 =	vgt.f32 v12, $0.0e+00;
	v62 =	vld [tilespmem:s10+$0x0];
	s8 =	sand.u32 $0x7, s6;
	s1 =	sshll.u32 s16, $0x3;
	s16 =	sld [smem:$0x7EB]  }
0xc3: {  	vm4 =	vgt.f32 v13, $0.0e+00;
	v63 =	vld [tilespmem:s10+$0x10];
	s2 =	sshll.u32 s2, $0x7;
	s13 =	sshll.u32 s8, $0x6;
	s1 =	sand.u32 $0xFFFFFC00, s1  }
0xc4: {  	vm5 =	vgt.f32 v14, $0.0e+00;
	v2 =	vld [tilespmem:s10+$0x20];
	s24 =	sor.u32 s2, s1;
	s2 =	sand.u32 $0x7, s4;
	[smem:$0x7EC] =	sst s15  }
0xc5: {  	vm0 =	vgt.f32 v15, $0.0e+00;
	s4 =	sshll.u32 s5, $0x3;
	s2 =	sshll.u32 s2, $0x6;
	[smem:$0x7EB] =	sst s16  }
0xc6: {  	s9 =	sand.u32 $0xFFFFFC00, s4;
	s4 =	sand.u32 $0x3, s16;
	s5 =	sor.u32 s2, s26;
	[tilespmem:v5+s17+$0x0] =	vst.idx.add.f32.msk vm2, v60  }
0xc7: {  	s1 =	sor.u32 s13, s9;
	s2 =	sshll.u32 s15, $0x3;
	s18 =	rddreg [dreg:$0x5]  }
0xc8: {  	s4 =	sshll.u32 s4, $0x7;
	s2 =	sand.u32 $0xFFFFFC00, s2;
	[tilespmem:v6+s17+$0x0] =	vst.idx.add.f32.msk vm3, v61;
	s6 =	sadd.s32 s18, s19  }
0xc9: {  	s31 =	sor.u32 $0x200, s1;
	[tilespmem:v7+s17+$0x0] =	vst.idx.add.f32.msk vm4, v62;
	s1 =	simm.s32 $0x0;
	s26 =	sshrl.u32 s6, $0x7  }
0xca: {  	[tilespmem:v8+s17+$0x0] =	vst.idx.add.f32.msk vm5, v63;
	s30 =	sor.u32 s4, s2;
	s18 =	sadd.s32 $0x400, s11;
	s16 =	smin.u32 s26, $0x6197  }
.LBB2_5:
0xcb: {  	s2 =	sshra.s32 s18, $0x2;
	[tilespmem:v1+s17+$0x0] =	vst.idx.add.f32.msk vm0, v2;
	s7 =	sadd.s32 $0x400, s7  }
0xcc: {  	s12 =	sadd.s32 $0x400, s12;
	v3 =	vld [tilespmem:s2+$0x18780];
	s4 =	sshra.s32 s7, $0x2  }
0xcd: {  	s3 =	sadd.s32 $0x400, s3;
	s6 =	sshra.s32 s12, $0x2;
	v4 =	vld [tilespmem:s4+$0x18700]  }
0xce: {  	s21 =	sadd.s32 $0x400, s21;
	s13 =	sshra.s32 s3, $0x2;
	v5 =	vld [tilespmem:s6+$0x18700]  }
0xcf: {  	s23 =	sadd.s32 $0x400, s23;
	s9 =	sshra.s32 s21, $0x2;
	v6 =	vld [tilespmem:s13+$0x18780]  }
0xd0: {  	s0 =	sadd.s32 $0x400, s0;
	s11 =	sshra.s32 s23, $0x2;
	v7 =	vld [tilespmem:s9+$0x18780]  }
0xd1: {  	s28 =	sadd.s32 $0x400, s28;
	s8 =	sshra.s32 s0, $0x2;
	v8 =	vld [tilespmem:s11+$0x18780]  }
0xd2: {  	s1 =	sadd.s32 $0x8, s1;
	s15 =	sshra.s32 s28, $0x2;
	v1 =	vld [tilespmem:s8+$0x18780]  }
0xd3: {  	p0 =	slt.u32 s1, $0x70;
	v2 =	vld [tilespmem:s15+$0x18800]  }
0xd4: {  	v9 =	vld [tilespmem:s2+$0x18800]  }
0xd5: {  	v10 =	vld [tilespmem:s4+$0x18780]  }
0xd6: {  	v11 =	vld [tilespmem:s6+$0x18780]  }
0xd7: {  	v12 =	vld [tilespmem:s13+$0x18800]  }
0xd8: {  	v13 =	vld [tilespmem:s9+$0x18800]  }
0xd9: {  	v14 =	vld [tilespmem:s11+$0x18800]  }
0xda: {  	s13 =	simm.s32 $0x0;
	v15 =	vld [tilespmem:s8+$0x18800]  }
0xdb: {  	v2 =	vld.idx.msk [tilespmem:v2+s13+$0x0], $0xffff  }
0xdc: {  	v9 =	vld.idx.msk [tilespmem:v9+s13+$0x0], $0xffff  }
0xdd: {  	v10 =	vld.idx.msk [tilespmem:v10+s13+$0x0], $0xffff  }
0xde: {  	v11 =	vld.idx.msk [tilespmem:v11+s13+$0x0], $0xffff  }
0xdf: {  	v16 =	vld [tilespmem:s15+$0x18780]  }
0xe0: {  	v12 =	vld.idx.msk [tilespmem:v12+s13+$0x0], $0xffff  }
0xe1: {  	s10 =	sadd.s32 $0x80, s10;
	vm0 =	vgt.f32 v2, $0.0e+00;
	v13 =	vld.idx.msk [tilespmem:v13+s13+$0x0], $0xffff  }
0xe2: {  	vm1 =	vgt.f32 v9, $0.0e+00;
	v2 =	vld [tilespmem:s10+$0x30]  }
0xe3: {  	vm2 =	vgt.f32 v10, $0.0e+00;
	v9 =	vld.idx.msk [tilespmem:v14+s13+$0x0], $0xffff  }
0xe4: {  	vm3 =	vgt.f32 v11, $0.0e+00;
	v10 =	vld.idx.msk [tilespmem:v15+s13+$0x0], $0xffff  }
0xe5: {  	v11 =	vld [tilespmem:s10+$0xFFFFFFC0]  }
0xe6: {  	vm4 =	vgt.f32 v12, $0.0e+00;
	v14 =	vld [tilespmem:s10+$0xFFFFFFD0]  }
0xe7: {  	vm5 =	vgt.f32 v13, $0.0e+00;
	[tilespmem:v16+s17+$0x0] =	vst.idx.add.f32.msk vm0, v2  }
0xe8: {  	v12 =	vld [tilespmem:s10+$0xFFFFFFE0]  }
0xe9: {  	vm6 =	vgt.f32 v9, $0.0e+00;
	v13 =	vld [tilespmem:s10+$0xFFFFFFF0]  }
0xea: {  	vm0 =	vgt.f32 v10, $0.0e+00;
	v9 =	vld [tilespmem:s10+$0x0]  }
0xeb: {  	v10 =	vld [tilespmem:s10+$0x10]  }
0xec: {  	v2 =	vld [tilespmem:s10+$0x20]  }
0xed: {  	[tilespmem:v3+s17+$0x0] =	vst.idx.add.f32.msk vm1, v11  }
.Ltmp1:
0xee: {  	[tilespmem:v4+s17+$0x0] =	vst.idx.add.f32.msk vm2, v14;
	(pc) =	sbr.rel @p0 .LBB2_5-.Ltmp1, $4  }
0xef: {  	[tilespmem:v5+s17+$0x0] =	vst.idx.add.f32.msk vm3, v12  }
0xf0: {  	[tilespmem:v6+s17+$0x0] =	vst.idx.add.f32.msk vm4, v13  }
0xf1: {  	[tilespmem:v7+s17+$0x0] =	vst.idx.add.f32.msk vm5, v9  }
0xf2: {  	s18 =	sadd.s32 $0x400, s18;
	[tilespmem:v8+s17+$0x0] =	vst.idx.add.f32.msk vm6, v10  }
0xf3: {  	_ =	sdelay $0x4  }
0xf4: {  	[tilespmem:v1+s17+$0x0] =	vst.idx.add.f32.msk vm0, v2  }
0xf5: {  	s23 =	sld [smem:$0x7CB];
	_ =	sdelay $0x2  }
0xf6: {  	s18 =	simm.s32 $0x0;
	s0 =	smov.u32 s23  }
.LBB2_7:
0xf7: {  	s1 =	sshrl.u32 s0, $0x7  }
0xf8: {  	s1 =	ssub.s32 s1, s16  }
0xf9: {  	s1 =	sshll.u32 s1, $0xA  }
0xfa: {  	s2 =	sand.u32 $0x70, s0;
	s1 =	sshra.s32 s1, $0x2  }
0xfb: {  	s1 =	sor.u32 s2, s1  }
0xfc: {  	s2 =	sadd.s32 $0x18780, s1  }
0xfd: {  	v1 =	vld [tilespmem:s2+$0x80];
	_ =	sdelay $0x7  }
0xfe: {  	v1 =	vld.idx.msk [tilespmem:v1+s18+$0x0], $0xffff;
	_ =	sdelay $0x2  }
0xff: {  	v2 =	vld [tilespmem:s1+$0x18780];
	_ =	sdelay $0x1  }
0x100: {  	s28 =	sshra.s32 s13, $0x2;
	vm0 =	vgt.f32 v1, $0.0e+00  }
0x101: {  	p0 =	sne.s32 s13, $0x100;
	v1 =	vld [tilespmem:s28+$0x1B100]  }
.Ltmp2:
0x102: {  	_ = 	snop;
	(pc) =	sbr.rel @p0 .LBB2_7-.Ltmp2, $2  }
0x103: {  	_ =	sdelay $0x2  }
0x104: {  	s0 =	sadd.s32 $0x10, s0;
	s13 =	sadd.s32 $0x40, s13;
	[tilespmem:v2+s17+$0x0] =	vst.idx.add.f32.msk vm0, v1  }
0x105: {  	s12 =	sld [smem:$0x7D1];
	_ =	sdelay $0x2  }
0x106: {  	s0 =	rddreg [dreg:$0xa];
	p0 =	seq.s32 s12, $0x18  }
0x107: {  	s0 =	sadd.s32 @!p0 s19, s0  }
0x108: {  	s1 =	sshrl.u32 @!p0 s0, $0x7  }
0x109: {  	s8 =	rddreg [dreg:$0x1];
	s1 =	smin.u32 @!p0 s1, $0x6197  }
0x10a: {  	s9 =	rddreg [dreg:$0x2];
	s2 =	simm.s32 @!p0 $0x0;
	s1 =	sshll.u32 @!p0 s1, $0x5  }
0x10b: {  	s3 =	simm.s32 @!p0 $0x18780;
	s0 =	sshrl.u32 @!p0 s0, $0x3;
	s1 =	sadd.s32 @!p0 s8, s1  }
0x10c: {  	[tilespmem:s3], [sflag:$0x2] =	stream.linear.gather @!p0 [hbm4b:s1+s2], $0x1100, $0x38;
	[tilespmem:$0x1B980] =	vst v63  }
0x10d: {  	s16 =	simm.s32 $0x3;
	s0 =	sadd.s32 @!p0 s9, s0;
	s1 =	simm.s32 @!p0 $0x1A980  }
0x10e: {  	[tilespmem:s1], [sflag:$0x2] =	stream.linear.gather @!p0 [hbm4b:s0+s2], $0x7D0, $0x38;
	[tilespmem:$0x1B980] =	vst v63  }
0x10f: {  	s19 =	sshra.s32 s25, $0x2;
	_ =	swait.ge [sflag:s16], $0x1100  }
0x110: {  	s25 =	sshra.s32 s29, $0x2;
	v1 =	vmov s19;
	[sflag:s16] =	ssyncset.done $0x0  }
0x111: {  	s26 =	sshra.s32 s31, $0x2;
	v3 =	vmov s25;
	[sflag:s16] =	ssyncadd.s32 $0xFFFFEF00  }
0x112: {  	s28 =	sshra.s32 s30, $0x2;
	v4 =	vmov s26;
	s21 =	sld [smem:$0x7DD];
	_ =	swait.ge [sflag:s16], $0x7D0  }
0x113: {  	v5 =	vmov s28;
	s29 =	sshra.s32 s5, $0x2;
	[sflag:s16] =	ssyncset.done $0x0  }
0x114: {  	s30 =	sshra.s32 s24, $0x2;
	v6 =	vmov s29;
	[sflag:s16] =	ssyncadd.s32 $0xFFFFF830  }
0x115: {  	s31 =	sshra.s32 s22, $0x2;
	v7 =	vmov s30;
	v9 =	vld.idx.msk [tilespmem:v1+s14+$0x80 ss:$0x1], $0xffff  }
0x116: {  	v8 =	vmov s31;
	v11 =	vld.idx.msk [tilespmem:v3+s14+$0x0 ss:$0x1], $0xffff  }
0x117: {  	v12 =	vld.idx.msk [tilespmem:v4+s14+$0x0 ss:$0x1], $0xffff  }
0x118: {  	v13 =	vld.idx.msk [tilespmem:v5+s14+$0x80 ss:$0x1], $0xffff  }
0x119: {  	v14 =	vld.idx.msk [tilespmem:v6+s14+$0x80 ss:$0x1], $0xffff  }
0x11a: {  	v15 =	vld.idx.msk [tilespmem:v7+s14+$0x80 ss:$0x1], $0xffff  }
0x11b: {  	v16 =	vld.idx.msk [tilespmem:v8+s14+$0x80 ss:$0x1], $0xffff  }
0x11c: {  	v17 =	vld.idx.msk [tilespmem:v1+s14+$0x0 ss:$0x1], $0xffff  }
0x11d: {  	v18 =	vld.idx.msk [tilespmem:v3+s14+$0xFFFFFF80 ss:$0x1], $0xffff  }
0x11e: {  	v19 =	vld.idx.msk [tilespmem:v4+s14+$0xFFFFFF80 ss:$0x1], $0xffff  }
0x11f: {  	v59 =	vld.idx.msk [tilespmem:v6+s14+$0x0 ss:$0x1], $0xffff  }
0x120: {  	v20 =	vld.idx.msk [tilespmem:v7+s14+$0x0 ss:$0x1], $0xffff  }
0x121: {  	s3 =	simm.s32 $0x1B1C0;
	s1 =	sshrl.u32 s21, $0x2;
	v21 =	vld.idx.msk [tilespmem:v8+s14+$0x0 ss:$0x1], $0xffff  }
0x122: {  	v2 =	vmov s1;
	v23 =	vld [tilespmem:s3+$0xFFFFFFC0]  }
0x123: {  	v60 =	vld [tilespmem:s3+$0xFFFFFFF0]  }
0x124: {  	v61 =	vld [tilespmem:s3+$0x0]  }
0x125: {  	v62 =	vld [tilespmem:s3+$0x10]  }
0x126: {  	v63 =	vld [tilespmem:s3+$0x20]  }
0x127: {  	s0 =	simm.s32 $0x0;
	v10 =	vld.idx.msk [tilespmem:v2+s14+$0x80 ss:$0x1], $0xffff  }
0x128: {  	v9 =	vld.idx.msk [tilespmem:v9+s0+$0x0], $0xffff  }
0x129: {  	v11 =	vld.idx.msk [tilespmem:v11+s0+$0x0], $0xffff  }
0x12a: {  	v12 =	vld.idx.msk [tilespmem:v12+s0+$0x0], $0xffff  }
0x12b: {  	v14 =	vld.idx.msk [tilespmem:v14+s0+$0x0], $0xffff  }
0x12c: {  	v15 =	vld.idx.msk [tilespmem:v15+s0+$0x0], $0xffff  }
0x12d: {  	v16 =	vld.idx.msk [tilespmem:v16+s0+$0x0], $0xffff;
	vm0 =	vgt.f32 v9, $0.0e+00  }
0x12e: {  	v9 =	vld [tilespmem:s3+$0x30]  }
0x12f: {  	v13 =	vld.idx.msk [tilespmem:v13+s0+$0x0], $0xffff  }
0x130: {  	v10 =	vld.idx.msk [tilespmem:v10+s0+$0x0], $0xffff;
	vm2 =	vgt.f32 v12, $0.0e+00  }
0x131: {  	vm1 =	vgt.f32 v11, $0.0e+00;
	v11 =	vld [tilespmem:s3+$0xFFFFFFE0];
	vm4 =	vgt.f32 v14, $0.0e+00  }
0x132: {  	v22 =	vld.idx.msk [tilespmem:v2+s14+$0x0 ss:$0x1], $0xffff;
	vm5 =	vgt.f32 v15, $0.0e+00  }
0x133: {  	vm6 =	vgt.f32 v16, $0.0e+00;
	[tilespmem:v17+s17+$0x0] =	vst.idx.add.f32.msk vm0, v9  }
0x134: {  	v9 =	vld.idx.msk [tilespmem:v5+s14+$0x0 ss:$0x1], $0xffff  }
0x135: {  	vm15 =	vgt.f32 v10, $0.0e+00;
	v10 =	vld [tilespmem:s3+$0xFFFFFFD0]  }
0x136: {  	vm3 =	vgt.f32 v13, $0.0e+00;
	[tilespmem:v19+s17+$0x0] =	vst.idx.add.f32.msk vm2, v11  }
0x137: {  	[tilespmem:v59+s17+$0x0] =	vst.idx.add.f32.msk vm4, v61  }
0x138: {  	[tilespmem:v20+s17+$0x0] =	vst.idx.add.f32.msk vm5, v62  }
0x139: {  	[tilespmem:v21+s17+$0x0] =	vst.idx.add.f32.msk vm6, v63  }
0x13a: {  	[tilespmem:v18+s17+$0x0] =	vst.idx.add.f32.msk vm1, v10  }
0x13b: {  	[tilespmem:v22+s17+$0x0] =	vst.idx.add.f32.msk vm15, v23  }
0x13c: {  	[tilespmem:v9+s17+$0x0] =	vst.idx.add.f32.msk vm3, v60  }
0x13d: {  	s2 =	sld [smem:$0x7CC]  }
0x13e: {  	s4 =	sld [smem:$0x7ED]  }
0x13f: {  	s7 =	sadd.s32 $0x100, s14;
	s14 =	sld [smem:$0x7EE]  }
0x140: {  	s21 =	sld [smem:$0x7D8]  }
0x141: {  	s19 =	sld [smem:$0x7D3]  }
0x142: {  	s22 =	sld [smem:$0x7EF]  }
0x143: {  	s6 =	sld [smem:$0x7D0]  }
0x144: {  	s11 =	sld [smem:$0x7CD]  }
0x145: {  	s1 =	simm.s32 $0x0;
	s15 =	sld [smem:$0x7CE]  }
.LBB2_9:
0x146: {  	v9 =	vld.idx.msk [tilespmem:v1+s7+$0x80 ss:$0x1], $0xffff;
	s1 =	sadd.s32 $0x8, s1  }
0x147: {  	v10 =	vld.idx.msk [tilespmem:v2+s7+$0x80 ss:$0x1], $0xffff;
	p0 =	slt.u32 s1, $0x70  }
0x148: {  	v11 =	vld.idx.msk [tilespmem:v3+s7+$0x0 ss:$0x1], $0xffff  }
0x149: {  	v12 =	vld.idx.msk [tilespmem:v4+s7+$0x0 ss:$0x1], $0xffff  }
0x14a: {  	v13 =	vld.idx.msk [tilespmem:v5+s7+$0x80 ss:$0x1], $0xffff  }
0x14b: {  	v14 =	vld.idx.msk [tilespmem:v6+s7+$0x80 ss:$0x1], $0xffff  }
0x14c: {  	v15 =	vld.idx.msk [tilespmem:v7+s7+$0x80 ss:$0x1], $0xffff  }
0x14d: {  	v16 =	vld.idx.msk [tilespmem:v8+s7+$0x80 ss:$0x1], $0xffff  }
0x14e: {  	v9 =	vld.idx.msk [tilespmem:v9+s0+$0x0], $0xffff  }
0x14f: {  	v10 =	vld.idx.msk [tilespmem:v10+s0+$0x0], $0xffff  }
0x150: {  	v11 =	vld.idx.msk [tilespmem:v11+s0+$0x0], $0xffff  }
0x151: {  	v12 =	vld.idx.msk [tilespmem:v12+s0+$0x0], $0xffff  }
0x152: {  	v17 =	vld.idx.msk [tilespmem:v1+s7+$0x0 ss:$0x1], $0xffff  }
0x153: {  	v13 =	vld.idx.msk [tilespmem:v13+s0+$0x0], $0xffff  }
0x154: {  	s3 =	sadd.s32 $0x80, s3;
	vm5 =	vgt.f32 v9, $0.0e+00;
	v14 =	vld.idx.msk [tilespmem:v14+s0+$0x0], $0xffff  }
0x155: {  	vm0 =	vgt.f32 v10, $0.0e+00;
	v9 =	vld [tilespmem:s3+$0x30]  }
0x156: {  	vm1 =	vgt.f32 v11, $0.0e+00;
	v10 =	vld.idx.msk [tilespmem:v15+s0+$0x0], $0xffff  }
0x157: {  	vm2 =	vgt.f32 v12, $0.0e+00;
	v11 =	vld.idx.msk [tilespmem:v16+s0+$0x0], $0xffff  }
0x158: {  	v12 =	vld.idx.msk [tilespmem:v3+s7+$0xFFFFFF80 ss:$0x1], $0xffff  }
0x159: {  	vm3 =	vgt.f32 v13, $0.0e+00;
	v15 =	vld.idx.msk [tilespmem:v4+s7+$0xFFFFFF80 ss:$0x1], $0xffff  }
0x15a: {  	vm4 =	vgt.f32 v14, $0.0e+00;
	[tilespmem:v17+s17+$0x0] =	vst.idx.add.f32.msk vm5, v9  }
0x15b: {  	v9 =	vld.idx.msk [tilespmem:v5+s7+$0x0 ss:$0x1], $0xffff  }
0x15c: {  	vm5 =	vgt.f32 v10, $0.0e+00;
	v13 =	vld.idx.msk [tilespmem:v6+s7+$0x0 ss:$0x1], $0xffff  }
0x15d: {  	vm6 =	vgt.f32 v11, $0.0e+00;
	v10 =	vld.idx.msk [tilespmem:v7+s7+$0x0 ss:$0x1], $0xffff  }
0x15e: {  	v11 =	vld.idx.msk [tilespmem:v8+s7+$0x0 ss:$0x1], $0xffff  }
0x15f: {  	v14 =	vld.idx.msk [tilespmem:v2+s7+$0x0 ss:$0x1], $0xffff  }
0x160: {  	v16 =	vld [tilespmem:s3+$0xFFFFFFC0]  }
0x161: {  	v17 =	vld [tilespmem:s3+$0xFFFFFFD0]  }
0x162: {  	v18 =	vld [tilespmem:s3+$0xFFFFFFE0]  }
0x163: {  	v19 =	vld [tilespmem:s3+$0xFFFFFFF0]  }
0x164: {  	v20 =	vld [tilespmem:s3+$0x0]  }
0x165: {  	v21 =	vld [tilespmem:s3+$0x10]  }
0x166: {  	v22 =	vld [tilespmem:s3+$0x20]  }
0x167: {  	[tilespmem:v14+s17+$0x0] =	vst.idx.add.f32.msk vm0, v16  }
0x168: {  	[tilespmem:v12+s17+$0x0] =	vst.idx.add.f32.msk vm1, v17  }
.Ltmp3:
0x169: {  	[tilespmem:v15+s17+$0x0] =	vst.idx.add.f32.msk vm2, v18;
	(pc) =	sbr.rel @p0 .LBB2_9-.Ltmp3, $4  }
0x16a: {  	[tilespmem:v9+s17+$0x0] =	vst.idx.add.f32.msk vm3, v19  }
0x16b: {  	[tilespmem:v13+s17+$0x0] =	vst.idx.add.f32.msk vm4, v20  }
0x16c: {  	[tilespmem:v10+s17+$0x0] =	vst.idx.add.f32.msk vm5, v21  }
0x16d: {  	s7 =	sadd.s32 $0x100, s7;
	[tilespmem:v11+s17+$0x0] =	vst.idx.add.f32.msk vm6, v22  }
0x16e: {  	s13 =	sld [smem:$0x7D7]  }
0x16f: {  	s5 =	sld [smem:$0x7D6]  }
0x170: {  	s16 =	sld [smem:$0x7D5]  }
0x171: {  	s28 =	sld [smem:$0x7D2]  }
0x172: {  	s1 =	smov.u32 s2;
	s9 =	sld [smem:$0x7CF]  }
.LBB2_11:
0x173: {  	s2 =	sshrl.u32 s1, $0x7  }
0x174: {  	s2 =	ssub.s32 s2, s20  }
0x175: {  	s2 =	sshll.u32 s2, $0xA  }
0x176: {  	s3 =	sand.u32 $0x70, s1;
	s2 =	sshra.s32 s2, $0x2  }
0x177: {  	s2 =	sor.u32 s3, s2  }
0x178: {  	s3 =	sadd.s32 $0x19880, s2  }
0x179: {  	v1 =	vld [tilespmem:s3+$0x80];
	_ =	sdelay $0x7  }
0x17a: {  	v1 =	vld.idx.msk [tilespmem:v1+s18+$0x0], $0xffff;
	_ =	sdelay $0x2  }
0x17b: {  	v2 =	vld [tilespmem:s2+$0x19880];
	_ =	sdelay $0x1  }
0x17c: {  	s31 =	sshra.s32 s0, $0x2;
	vm0 =	vgt.f32 v1, $0.0e+00  }
0x17d: {  	p0 =	sne.s32 s0, $0x100;
	v1 =	vld [tilespmem:s31+$0x1B900]  }
.Ltmp4:
0x17e: {  	_ = 	snop;
	(pc) =	sbr.rel @p0 .LBB2_11-.Ltmp4, $2  }
0x17f: {  	_ =	sdelay $0x2  }
0x180: {  	s1 =	sadd.s32 $0x10, s1;
	s0 =	sadd.s32 $0x40, s0;
	[tilespmem:v2+s17+$0x0] =	vst.idx.add.f32.msk vm0, v1  }
0x181: {  	s20 =	sld [smem:$0x7D4]  }
0x182: {  	s7 =	sld [smem:$0x7D9]  }
0x183: {  	s3 =	sld [smem:$0x7DA]  }
0x184: {  	s18 =	sld [smem:$0x7DE]  }
0x185: {  	s2 =	sld [smem:$0x7DB]  }
0x186: {  	s1 =	sld [smem:$0x7DC]  }
0x187: {  	s0 =	sld [smem:$0x7DF]  }
0x188: {  	s25 =	sld [smem:$0x7E0]  }
0x189: {  	s31 =	sld [smem:$0x7E1]  }
0x18a: {  	s26 =	sld [smem:$0x7E2]  }
0x18b: {  	s4 =	sadd.s32 $0x2, s4;
	s24 =	sld [smem:$0x7E3]  }
0x18c: {  	[smem:$0x7ED] =	sst s4  }
0x18d: {  	s12 =	sadd.s32 $0x1, s12;
	s15 =	sadd.s32 $0xFA0, s15;
	s4 =	sld [smem:$0x7E7]  }
0x18e: {  	s11 =	sadd.s32 $0x1, s11;
	s14 =	sadd.s32 $0xFA0, s14;
	s29 =	sld [smem:$0x7E5]  }
0x18f: {  	s10 =	sadd.s32 $0x2, s9;
	s19 =	sadd.s32 $0xFA0, s19;
	[smem:$0x7EE] =	sst s14  }
0x190: {  	s14 =	smov.u32 s19;
	s19 =	sadd.s32 $0x2, s4;
	s4 =	sld [smem:$0x7EC]  }
0x191: {  	s6 =	sadd.s32 $0xFA0, s6;
	s28 =	sadd.s32 $0xFA0, s28;
	s30 =	sld [smem:$0x7E6]  }
0x192: {  	s22 =	sadd.s32 $0x1, s22;
	s16 =	sadd.s32 $0xFA0, s16;
	s8 =	sld [smem:$0x7E8]  }
0x193: {  	s5 =	sadd.s32 $0x2, s5;
	[smem:$0x7EF] =	sst s22;
	s4 =	sadd.s32 $0xFA0, s4  }
0x194: {  	s13 =	sadd.s32 $0xFA0, s13;
	s21 =	sadd.s32 $0x1, s21;
	[smem:$0x7EC] =	sst s4  }
0x195: {  	s23 =	sadd.s32 $0xFA0, s23;
	s4 =	smov.u32 s21;
	s21 =	sld [smem:$0x7EB]  }
0x196: {  	p0 =	sne.s32 s12, $0x19;
	s20 =	sadd.s32 $0x2, s20;
	s7 =	sadd.s32 $0x1, s7  }
0x197: {  	s3 =	sadd.s32 $0xFA0, s3;
	s22 =	sadd.s32 $0xFA0, s26;
	s26 =	sld [smem:$0x7E4]  }
0x198: {  	s9 =	sadd.s32 $0xFA0, s8;
	s8 =	sld [smem:$0x7E9];
	s21 =	sadd.s32 $0x1, s21  }
.Ltmp5:
0x199: {  	s18 =	sadd.s32 $0xFA0, s18;
	[smem:$0x7EB] =	sst s21;
	(pc) =	sbr.rel @p0 .LBB2_4-.Ltmp5, $4  }
0x19a: {  	s2 =	sadd.s32 $0xFA0, s2;
	s1 =	sadd.s32 $0x2, s1;
	s21 =	sld [smem:$0x7CC]  }
0x19b: {  	s0 =	sadd.s32 $0x1, s0;
	s25 =	sadd.s32 $0xFA0, s25;
	s31 =	sadd.s32 $0x2, s31  }
0x19c: {  	s24 =	sadd.s32 $0x1, s24;
	s29 =	sadd.s32 $0x1, s29;
	s30 =	sadd.s32 $0xFA0, s30  }
0x19d: {  	s26 =	sadd.s32 $0xFA0, s26;
	s8 =	sadd.s32 $0x2, s8;
	s21 =	sadd.s32 $0xFA0, s21  }
0x19e: {  	s0 =	rddreg [dreg:$0xb]  }
0x19f: {  	s1 =	simm.s32 $0x80;
	s2 =	simm.s32 $0x400;
	s29 =	simm.s32 $0x4  }
0x1a0: {  	[hbm4b:s0+s1] =	stream.strided.scatter [tilespmem:s17], [sflag:$0x4], $0xC400, s2, s1, $0x38;
	[tilespmem:$0x1B980] =	vst v63  }
0x1a1: {  	_ =	swait.ge [sflag:s29], $0xC400  }
0x1a2: {  	s30 =	sld [smem:$0x7EA];
	_ =	sdelay $0x2  }
0x1a3: {  	s31 =	rddreg [dreg:$0xd];
	s2 =	sadd.s32 $0x1, s30  }
0x1a4: {  	p0 =	sne.s32 s2, s31  }
.Ltmp6:
0x1a5: {  	_ = 	snop;
	(pc) =	sbr.rel @p0 .LBB2_1-.Ltmp6, $3  }
0x1a6: {  	_ =	sdelay $0x1  }
0x1a7: {  	[sflag:s29] =	ssyncset.done $0x0  }
0x1a8: {  	s5 =	simm.s32 $0x0;
	[sflag:s29] =	ssyncadd.s32 $0xFFFF3C00  }
0x1a9: {  	_ =	sfence.sel $0x180000  }
0x1aa: {  	[bflag:$0x0] =	sbarrier.arrive $0xFFFF  }
0x1ab: {  	_ =	strace $0x90000047  }
0x1ac: {  	s0 =	stileid.u32;
	[bflag:$0x2] =	sbarrier.arrive $0xFFFF  }
0x1ad: {  	p0 =	sne.s32 s0, $0x0;
	s0 =	rddreg [dreg:$0x4]  }
0x1ae: {  	s0 =	sadd.s32 @!p0 $0x100000, s0  }
0x1af: {  	[sflag:s0] =	ssyncadd.tile.s32 @!p0 $0x1;
	_ =	shalt  }
.Lfunc_end2:
_tile_overlayer_lowered:
.L_overlay_start_2:
0x1b0: {  	(tag) =	ssettag $0x2  }
0x1b1: {  	s0 =	rddreg [dreg:$0x0];
	s2 =	stileid.u32  }
0x1b2: {  	s1 =	rddreg [dreg:$0x1];
	p0 =	sne.s32 s2, $0x0  }
0x1b3: {  	s3 =	rddreg [dreg:$0x2];
	[bflag:$0x3] =	sbarrier.arrive $0xFFFF;
	s2 =	simm.s32 @!p0 $0x1C04  }
0x1b4: {  	[timem:s3], [sflag:s2] =	dma.local @!p0 [hbm:s0], s1  }
0x1b5: {  	s0 =	simm.s32 @!p0 $0x4  }
0x1b6: {  	_ =	swait.ge @!p0 [sflag:s0], s1  }
0x1b7: {  	s1 =	ssub.s32 @!p0 $0x0, s1;
	[sflag:s0] =	ssyncset.done @!p0 $0x0  }
0x1b8: {  	[sflag:s0] =	ssyncadd.s32 @!p0 s1  }
0x1b9: {  	[bflag:$0x3] =	sbarrier.arrive $0xFFFF  }
0x1ba: {  	_ =	shalt  }

</sc_bundles>
